<compile_context>
chip_gen: v7x
topology: tpu7x:2x2x1
jax: 0.10.2.dev20260603
libtpu: 0.0.44.dev20260713+nightly
codegen_flags: <defaults>
</compile_context>

<pallas_src>
import functools

import jax
import jax.numpy as jnp
from jax import lax
from jax.experimental import pallas as pl
from jax.experimental.pallas import tpu as pltpu
from jax.experimental.pallas import tpu_sc as plsc

B = 8
M = 8192
FEAT = 1024
AEMB = 128
ADIM = 4672
SLOT = FEAT + AEMB + 1
TMC = 1024
NT = M // TMC
LANES = 16


def _prologue_body(features, action, result2d, emb, w_in, b1r,
                   candT_out, ipbT_out):
    act_emb = jnp.dot(action[...], emb[...], preferred_element_type=jnp.float32)
    input_data = jnp.concatenate([features[...], act_emb, result2d[...]], axis=1)
    candT_out[...] = input_data.T
    ipb = lax.dot_general(
        input_data, w_in[...], (((1,), (1,)), ((), ())),
        preferred_element_type=jnp.float32) + b1r[...]
    ipbT_out[...] = ipb.T


def _prologue(features, action, result2d, emb, W_in, b1r):
    return pl.pallas_call(
        _prologue_body,
        out_shape=(
            jax.ShapeDtypeStruct((SLOT, B), jnp.float32),
            jax.ShapeDtypeStruct((SLOT, B), jnp.float32),
        ),
        in_specs=[
            pl.BlockSpec((B, FEAT), lambda: (0, 0)),
            pl.BlockSpec((B, ADIM), lambda: (0, 0)),
            pl.BlockSpec((B, 1), lambda: (0, 0)),
            pl.BlockSpec((ADIM, AEMB), lambda: (0, 0)),
            pl.BlockSpec((SLOT, SLOT), lambda: (0, 0)),
            pl.BlockSpec((1, SLOT), lambda: (0, 0)),
        ],
        out_specs=(
            pl.BlockSpec((SLOT, B), lambda: (0, 0)),
            pl.BlockSpec((SLOT, B), lambda: (0, 0)),
        ),
    )(features, action, result2d, emb, W_in, b1r)


def _score_body(memT_blk, w_mem, ipbT, thr, w2,
                meta_out,
                rmax, rsum, rarg):
    i = pl.program_id(0)

    @pl.when(i == 0)
    def _init():
        for b in range(B):
            rmax[b] = jnp.float32(-1e30)
            rsum[b] = jnp.float32(0.0)
            rarg[b] = jnp.int32(0)

    memT = memT_blk[...]
    mem_partT = lax.dot_general(
        w_mem[...], memT, (((1,), (0,)), ((), ())),
        preferred_element_type=jnp.float32)

    ipbT_v = ipbT[...]
    w2v = w2[...]
    colid = lax.broadcasted_iota(jnp.int32, (1, TMC), 1)
    for b in range(B):
        h = jnp.tanh(mem_partT + ipbT_v[:, b:b + 1])
        s = lax.dot_general(w2v, h, (((1,), (0,)), ((), ())),
                            preferred_element_type=jnp.float32)
        t_max = jnp.max(s)
        t_arg = jnp.min(jnp.where(s == t_max, colid, jnp.int32(M)))
        t_sum = jnp.sum(jnp.exp(s - t_max))
        p_max = rmax[b]
        p_sum = rsum[b]
        n_max = jnp.maximum(p_max, t_max)
        rsum[b] = p_sum * jnp.exp(p_max - n_max) + t_sum * jnp.exp(t_max - n_max)
        take = t_max > p_max
        rarg[b] = jnp.where(take, i * TMC + t_arg, rarg[b])
        rmax[b] = n_max

    @pl.when(i == NT - 1)
    def _finalize():
        thr_v = thr[0, 0]
        lane = lax.broadcasted_iota(jnp.int32, (1, LANES), 1)
        meta = jnp.zeros((1, LANES), jnp.int32)
        for b in range(B):
            mask_b = (jnp.float32(1.0) / rsum[b]) > thr_v
            meta = meta + jnp.where(lane == b, rarg[b], 0)
            meta = meta + jnp.where(
                jnp.logical_and(lane == B + b, mask_b), 1, 0)
        meta_out[...] = meta


def _score(memT, W_mem, ipbT, thr, W2):
    return pl.pallas_call(
        _score_body,
        grid=(NT,),
        out_shape=jax.ShapeDtypeStruct((1, LANES), jnp.int32),
        in_specs=[
            pl.BlockSpec((SLOT, TMC), lambda i: (0, i)),
            pl.BlockSpec((SLOT, SLOT), lambda i: (0, 0)),
            pl.BlockSpec((SLOT, B), lambda i: (0, 0)),
            pl.BlockSpec(memory_space=pltpu.SMEM),
            pl.BlockSpec((1, SLOT), lambda i: (0, 0)),
        ],
        out_specs=pl.BlockSpec((1, LANES), lambda i: (0, 0)),
        scratch_shapes=[
            pltpu.SMEM((B,), jnp.float32),
            pltpu.SMEM((B,), jnp.float32),
            pltpu.SMEM((B,), jnp.int32),
        ],
        compiler_params=pltpu.CompilerParams(
            dimension_semantics=("arbitrary",),
            vmem_limit_bytes=100 * 1024 * 1024),
    )(memT, W_mem, ipbT, thr, W2)


_CHUNK = 40
_NFULL = SLOT // _CHUNK
_REM_OFF = _NFULL * _CHUNK
_REM = SLOT - _REM_OFF


def _sc_copy_body(memT_hbm, tblT_hbm):
    cid = lax.axis_index("c")
    sid = lax.axis_index("s")
    wid = sid * 2 + cid

    @pl.when(wid < _NFULL)
    def _full():
        off = pl.multiple_of(wid * _CHUNK, 8)
        pltpu.sync_copy(memT_hbm.at[pl.ds(off, _CHUNK)],
                        tblT_hbm.at[pl.ds(off, _CHUNK)])

    @pl.when(wid == _NFULL)
    def _rem():
        pltpu.sync_copy(memT_hbm.at[pl.ds(_REM_OFF, _REM)],
                        tblT_hbm.at[pl.ds(_REM_OFF, _REM)])


@functools.cache
def _sc_copy():
    mesh = plsc.VectorSubcoreMesh(
        core_axis_name="c", subcore_axis_name="s", num_cores=2, num_subcores=16)
    return pl.kernel(
        _sc_copy_body,
        out_type=jax.ShapeDtypeStruct((SLOT, M), jnp.float32),
        mesh=mesh,
    )


STRIPE = 128


def _scatter_body(meta_ref, candT_ref, tbl_in, tbl_out):
    i = pl.program_id(0)
    my_stripe = meta_ref[i] // STRIPE
    x = tbl_in[...]
    cT = candT_ref[...]
    lane = lax.broadcasted_iota(jnp.int32, (SLOT, STRIPE), 1)
    for b in range(B):
        slot_b = meta_ref[b]
        flag_b = meta_ref[B + b]
        hit = jnp.logical_and(flag_b > 0, slot_b // STRIPE == my_stripe)
        col_b = slot_b - (slot_b // STRIPE) * STRIPE
        x = jnp.where(jnp.logical_and(hit, lane == col_b), cT[:, b:b + 1], x)
    tbl_out[...] = x


def _scatter(tblT, meta, candT):
    return pl.pallas_call(
        _scatter_body,
        grid_spec=pltpu.PrefetchScalarGridSpec(
            num_scalar_prefetch=1,
            grid=(B,),
            in_specs=[
                pl.BlockSpec((SLOT, B), lambda i, m: (0, 0)),
                pl.BlockSpec((SLOT, STRIPE), lambda i, m: (0, m[i] // STRIPE)),
            ],
            out_specs=pl.BlockSpec((SLOT, STRIPE),
                                   lambda i, m: (0, m[i] // STRIPE)),
        ),
        out_shape=jax.ShapeDtypeStruct((SLOT, M), jnp.float32),
        input_output_aliases={2: 0},
        compiler_params=pltpu.CompilerParams(
            dimension_semantics=("arbitrary",)),
    )(meta, candT, tblT)


def kernel(features, action, result, memory, emb, W1, b1, W2, b2, threshold):
    del b2
    result2d = result[:, None]
    b1r = b1[None, :]
    thr = jnp.reshape(threshold, (1, 1))
    W_in = W1[:, :SLOT]
    W_mem = W1[:, SLOT:]
    memT = memory.T
    candT, ipbT = _prologue(features, action, result2d, emb, W_in, b1r)
    tblT = _sc_copy()(memT)
    meta_o = _score(memT, W_mem, ipbT, thr, W2)
    outT = _scatter(tblT, meta_o.reshape((LANES,)), candT)
    return outT.T

# --- scband reference (transcript-rebuilt; emitter-appended) ---
"""Pipeline reference for scband-super-chess-network-62809601736866 (READ-ONLY COPY).

The authoritative reference and input builder live on the scoring server;
editing this copy changes nothing except your own understanding.
"""

import jax, jax.numpy as jnp
import numpy as np

B = 8          # batch of write candidates
M = 8192       # memory_size
FEAT = 1024    # swin feature size
AEMB = 128     # action embedding dim
ADIM = 4672    # action_dim
SLOT = FEAT + AEMB + 1  # 1153 = memory slot width


def setup_inputs(seed: int = 0) -> dict:
    key = jax.random.key(seed)
    ks = jax.random.split(key, 10)
    inp = {}
    inp["features"] = jax.random.normal(ks[0], (B, FEAT), dtype=jnp.float32)
    a = jax.random.uniform(ks[1], (B, ADIM), dtype=jnp.float32)
    inp["action"] = a / jnp.sum(a, axis=1, keepdims=True)  # probability vectors over actions
    inp["result"] = jax.random.normal(ks[2], (B,), dtype=jnp.float32)
    inp["memory"] = jax.random.normal(ks[3], (M, SLOT), dtype=jnp.float32) * 0.1
    # learned parameters
    inp["emb"] = jax.random.normal(ks[4], (ADIM, AEMB), dtype=jnp.float32) * float(np.sqrt(2.0 / (ADIM + AEMB)))  # xavier
    inp["W1"] = jax.random.normal(ks[5], (SLOT, 2 * SLOT), dtype=jnp.float32) * float(1.0 / np.sqrt(2 * SLOT))
    inp["b1"] = jnp.zeros((SLOT,), dtype=jnp.float32)
    inp["W2"] = jax.random.normal(ks[6], (1, SLOT), dtype=jnp.float32) * float(1.0 / np.sqrt(SLOT))
    inp["b2"] = jnp.zeros((1,), dtype=jnp.float32)
    inp["threshold"] = jnp.float32(0.05)
    return inp


def reference(features, action, result, memory, emb, W1, b1, W2, b2, threshold):
    # MultiActionEmbedding: probs @ embeddings
    act_emb = action @ emb  # [B, AEMB]
    # write_to_memory: concat(features, action_embedding, result)
    input_data = jnp.concatenate([features, act_emb, result[:, None]], axis=1)  # [B, SLOT]
    # WriteHead.attention_mlp = Linear(2*SLOT -> SLOT), Tanh, Linear(SLOT -> 1)
    # combined = cat(expanded_input, memory); Linear on the concat decomposes exactly as
    # W1 @ [input; memory] = W1[:, :SLOT] @ input + W1[:, SLOT:] @ memory (same math, no per-pair concat).
    W_in = W1[:, :SLOT]
    W_mem = W1[:, SLOT:]
    in_part = input_data @ W_in.T      # [B, SLOT]
    mem_part = memory @ W_mem.T        # [M, SLOT]
    h = jnp.tanh(in_part[:, None, :] + mem_part[None, :, :] + b1)  # [B, M, SLOT]
    attention_scores = jnp.einsum('bmf,of->bmo', h, W2)[..., 0] + b2[0]  # [B, M]
    attention_weights = jax.nn.softmax(attention_scores, axis=1)  # softmax over memory slots (dim=0 per item in torch)
    best_slot = jnp.argmax(attention_weights, axis=1)  # [B]
    best_w = jnp.take_along_axis(attention_weights, best_slot[:, None], axis=1)[:, 0]
    mask = best_w > threshold  # [B]
    # sequential scatter-overwrite, last write wins (matches the python loop order)
    def body(mem, x):
        m_i, slot_i, row_i = x
        new_mem = jnp.where(m_i, mem.at[slot_i].set(row_i), mem)
        return new_mem, None
    updated_memory, _ = jax.lax.scan(body, memory, (mask, best_slot, input_data))
    return updated_memory

if __name__ == "__main__":
    import jax
    _d = setup_inputs()
    print(jax.jit(kernel)(*tuple(_d.values())))

</pallas_src>

<mosaic_0001>
#map = affine_map<(d0, d1) -> (0, 0)>
module attributes {stable_mosaic.version = 14 : i64} {
  func.func @_sc_copy_body(%arg0: i32, %arg1: i32, %arg2: memref<1153x8192xf32, #tpu.memory_space<hbm>>, %arg3: memref<1153x8192xf32, #tpu.memory_space<hbm>>) attributes {dimension_semantics = [#tpu.dimension_semantics<core_parallel>, #tpu.dimension_semantics<subcore_parallel>], iteration_bounds = array<i64: 2, 16>, scalar_prefetch = 0 : i64, scratch_operands = 0 : i64, tpu.core_type = #tpu.core_type<sc_vector_subcore>, window_params = [{transform_indices = #map}, {transform_indices = #map}]} {
    %mul3A = arith.constant 2 : i32
    %mul3A_0 = arith.muli %arg1, %mul3A : i32
    %add3A = arith.addi %mul3A_0, %arg0 : i32
    %lt3A = arith.constant 28 : i32
    %lt3A_1 = arith.cmpi slt, %add3A, %lt3A : i32
    %convert_element_type3A = arith.extui %lt3A_1 : i1 to i32
    %cond3A = arith.constant 0 : i32
    %cond3A_2 = arith.cmpi ne, %convert_element_type3A, %cond3A : i32
    scf.if %cond3A_2 {
      %mul3A_7 = arith.constant 40 : i32
      %mul3A_8 = arith.muli %add3A, %mul3A_7 : i32
      %multiple_of3A = tpu.assume_multiple %mul3A_8, 8 : i32
      "tpu.region"() ({
        %run_scoped3A = tpu.sem_alloc : memref<!tpu.dma_semaphore, #tpu.memory_space<semaphore_mem>>
        %dma_start3A = arith.constant 0 : i32
        %dma_start3A_9 = tpu.memref_slice %arg3[%multiple_of3A, %dma_start3A] : memref<1153x8192xf32, #tpu.memory_space<hbm>> -> memref<40x8192xf32, #tpu.memory_space<hbm>>
        %dma_start3A_10 = arith.constant 0 : i32
        %dma_start3A_11 = tpu.memref_slice %arg2[%multiple_of3A, %dma_start3A_10] : memref<1153x8192xf32, #tpu.memory_space<hbm>> -> memref<40x8192xf32, #tpu.memory_space<hbm>>
        tpu.enqueue_dma source(%dma_start3A_11 : memref<40x8192xf32, #tpu.memory_space<hbm>>) target(%dma_start3A_9 : memref<40x8192xf32, #tpu.memory_space<hbm>>) target_semaphore(%run_scoped3A : memref<!tpu.dma_semaphore, #tpu.memory_space<semaphore_mem>>)
        %dma_wait3A = arith.constant 0 : i32
        %dma_wait3A_12 = tpu.memref_slice %arg3[%multiple_of3A, %dma_wait3A] : memref<1153x8192xf32, #tpu.memory_space<hbm>> -> memref<40x8192xf32, #tpu.memory_space<hbm>>
        %dma_wait3A_13 = arith.constant 0 : i32
        %dma_wait3A_14 = tpu.memref_slice %arg2[%multiple_of3A, %dma_wait3A_13] : memref<1153x8192xf32, #tpu.memory_space<hbm>> -> memref<40x8192xf32, #tpu.memory_space<hbm>>
        tpu.wait_dma2 semaphore(%run_scoped3A : memref<!tpu.dma_semaphore, #tpu.memory_space<semaphore_mem>>) src(%dma_wait3A_14 : memref<40x8192xf32, #tpu.memory_space<hbm>>) dst(%dma_wait3A_12 : memref<40x8192xf32, #tpu.memory_space<hbm>>)
        tpu.yield
      }) : () -> ()
    } else {
    }
    %eq3A = arith.constant 28 : i32
    %eq3A_3 = arith.cmpi eq, %add3A, %eq3A : i32
    %convert_element_type3A_4 = arith.extui %eq3A_3 : i1 to i32
    %cond3A_5 = arith.constant 0 : i32
    %cond3A_6 = arith.cmpi ne, %convert_element_type3A_4, %cond3A_5 : i32
    scf.if %cond3A_6 {
      "tpu.region"() ({
        %run_scoped3A = tpu.sem_alloc : memref<!tpu.dma_semaphore, #tpu.memory_space<semaphore_mem>>
        %dma_start3A = arith.constant 1120 : i32
        %dma_start3A_7 = arith.constant 0 : i32
        %dma_start3A_8 = tpu.memref_slice %arg3[%dma_start3A, %dma_start3A_7] : memref<1153x8192xf32, #tpu.memory_space<hbm>> -> memref<33x8192xf32, #tpu.memory_space<hbm>>
        %dma_start3A_9 = arith.constant 1120 : i32
        %dma_start3A_10 = arith.constant 0 : i32
        %dma_start3A_11 = tpu.memref_slice %arg2[%dma_start3A_9, %dma_start3A_10] : memref<1153x8192xf32, #tpu.memory_space<hbm>> -> memref<33x8192xf32, #tpu.memory_space<hbm>>
        tpu.enqueue_dma source(%dma_start3A_11 : memref<33x8192xf32, #tpu.memory_space<hbm>>) target(%dma_start3A_8 : memref<33x8192xf32, #tpu.memory_space<hbm>>) target_semaphore(%run_scoped3A : memref<!tpu.dma_semaphore, #tpu.memory_space<semaphore_mem>>)
        %dma_wait3A = arith.constant 1120 : i32
        %dma_wait3A_12 = arith.constant 0 : i32
        %dma_wait3A_13 = tpu.memref_slice %arg3[%dma_wait3A, %dma_wait3A_12] : memref<1153x8192xf32, #tpu.memory_space<hbm>> -> memref<33x8192xf32, #tpu.memory_space<hbm>>
        %dma_wait3A_14 = arith.constant 1120 : i32
        %dma_wait3A_15 = arith.constant 0 : i32
        %dma_wait3A_16 = tpu.memref_slice %arg2[%dma_wait3A_14, %dma_wait3A_15] : memref<1153x8192xf32, #tpu.memory_space<hbm>> -> memref<33x8192xf32, #tpu.memory_space<hbm>>
        tpu.wait_dma2 semaphore(%run_scoped3A : memref<!tpu.dma_semaphore, #tpu.memory_space<semaphore_mem>>) src(%dma_wait3A_16 : memref<33x8192xf32, #tpu.memory_space<hbm>>) dst(%dma_wait3A_13 : memref<33x8192xf32, #tpu.memory_space<hbm>>)
        tpu.yield
      }) : () -> ()
    } else {
    }
    return
  }
}

module attributes {stable_mosaic.version = 14 : i64} {
  func.func @_prologue_body(%arg0: memref<8x1024xf32, #tpu.memory_space<vmem>>, %arg1: memref<8x4672xf32, #tpu.memory_space<vmem>>, %arg2: memref<8x1xf32, #tpu.memory_space<vmem>>, %arg3: memref<4672x128xf32, #tpu.memory_space<vmem>>, %arg4: memref<1153x1153xf32, #tpu.memory_space<vmem>>, %arg5: memref<1x1153xf32, #tpu.memory_space<vmem>>, %arg6: memref<1153x8xf32, #tpu.memory_space<vmem>>, %arg7: memref<1153x8xf32, #tpu.memory_space<vmem>>) attributes {dimension_semantics = [], scalar_prefetch = 0 : i64, scratch_operands = 0 : i64, tpu.core_type = #tpu.core_type<tc>} {
    %get3A = arith.constant 0 : index
    %get3A_0 = arith.constant 0 : index
    %get3A_1 = vector.load %arg1[%get3A, %get3A_0] : memref<8x4672xf32, #tpu.memory_space<vmem>>, vector<8x4672xf32>
    %get3A_2 = arith.constant 0 : index
    %get3A_3 = arith.constant 0 : index
    %get3A_4 = vector.load %arg3[%get3A_2, %get3A_3] : memref<4672x128xf32, #tpu.memory_space<vmem>>, vector<4672x128xf32>
    %dot_general3A = arith.constant dense<0.000000e+00> : vector<8x128xf32>
    %dot_general3A_5 = tpu.matmul %get3A_1, %get3A_4, %dot_general3A {dimension_numbers = #tpu.dot_dimension_numbers<[1], [0], [0], [1], [0, 0, 1, 1], [], []>, transpose_lhs_hint = false} : vector<8x4672xf32>, vector<4672x128xf32>, vector<8x128xf32> -> vector<8x128xf32>
    %get3A_6 = arith.constant 0 : index
    %get3A_7 = arith.constant 0 : index
    %get3A_8 = vector.load %arg0[%get3A_6, %get3A_7] : memref<8x1024xf32, #tpu.memory_space<vmem>>, vector<8x1024xf32>
    %get3A_9 = arith.constant 0 : index
    %get3A_10 = arith.constant 0 : index
    %get3A_11 = vector.load %arg2[%get3A_9, %get3A_10] : memref<8x1xf32, #tpu.memory_space<vmem>>, vector<8x1xf32>
    %concatenate3A = tpu.concatenate %get3A_8, %dot_general3A_5, %get3A_11 in 1 : vector<8x1024xf32>, vector<8x128xf32>, vector<8x1xf32> -> vector<8x1153xf32>
    %transpose3A = tpu.transpose %concatenate3A, [1, 0] : vector<8x1153xf32> -> vector<1153x8xf32>
    %swap3A = arith.constant 0 : index
    %swap3A_12 = arith.constant 0 : index
    %swap3A_13 = vector.load %arg6[%swap3A, %swap3A_12] : memref<1153x8xf32, #tpu.memory_space<vmem>>, vector<1153x8xf32>
    tpu.vector_store %arg6[%swap3A, %swap3A_12], %transpose3A {strides = array<i32>} : memref<1153x8xf32, #tpu.memory_space<vmem>>, vector<1153x8xf32>,
    %get3A_14 = arith.constant 0 : index
    %get3A_15 = arith.constant 0 : index
    %get3A_16 = vector.load %arg4[%get3A_14, %get3A_15] : memref<1153x1153xf32, #tpu.memory_space<vmem>>, vector<1153x1153xf32>
    %dot_general3A_17 = arith.constant dense<0.000000e+00> : vector<8x1153xf32>
    %dot_general3A_18 = tpu.matmul %concatenate3A, %get3A_16, %dot_general3A_17 {dimension_numbers = #tpu.dot_dimension_numbers<[1], [1], [0], [0], [0, 0, 1, 0], [], []>, transpose_lhs_hint = false} : vector<8x1153xf32>, vector<1153x1153xf32>, vector<8x1153xf32> -> vector<8x1153xf32>
    %get3A_19 = arith.constant 0 : index
    %get3A_20 = arith.constant 0 : index
    %get3A_21 = vector.load %arg5[%get3A_19, %get3A_20] : memref<1x1153xf32, #tpu.memory_space<vmem>>, vector<1x1153xf32>
    %add3A = vector.broadcast %get3A_21 : vector<1x1153xf32> to vector<8x1153xf32>
    %add3A_22 = arith.addf %dot_general3A_18, %add3A : vector<8x1153xf32>
    %transpose3A_23 = tpu.transpose %add3A_22, [1, 0] : vector<8x1153xf32> -> vector<1153x8xf32>
    %swap3A_24 = arith.constant 0 : index
    %swap3A_25 = arith.constant 0 : index
    %swap3A_26 = vector.load %arg7[%swap3A_24, %swap3A_25] : memref<1153x8xf32, #tpu.memory_space<vmem>>, vector<1153x8xf32>
    tpu.vector_store %arg7[%swap3A_24, %swap3A_25], %transpose3A_23 {strides = array<i32>} : memref<1153x8xf32, #tpu.memory_space<vmem>>, vector<1153x8xf32>,
    return
  }
}

module attributes {stable_mosaic.version = 14 : i64} {
  func.func @_score_body(%arg0: i32, %arg1: memref<1153x1024xf32, #tpu.memory_space<vmem>>, %arg2: memref<1153x1153xf32, #tpu.memory_space<vmem>>, %arg3: memref<1153x8xf32, #tpu.memory_space<vmem>>, %arg4: memref<1x1xf32, #tpu.memory_space<smem>>, %arg5: memref<1x1153xf32, #tpu.memory_space<vmem>>, %arg6: memref<1x16xi32, #tpu.memory_space<vmem>>, %arg7: memref<8xf32, #tpu.memory_space<smem>>, %arg8: memref<8xf32, #tpu.memory_space<smem>>, %arg9: memref<8xi32, #tpu.memory_space<smem>>) attributes {dimension_semantics = [#tpu.dimension_semantics<arbitrary>], iteration_bounds = array<i64: 8>, scalar_prefetch = 0 : i64, scratch_operands = 3 : i64, tpu.core_type = #tpu.core_type<tc>, window_params = [{transform_indices = @transform_0, window_bounds = array<i64: 1153, 1024>}, {pipeline_mode = #tpu.pipeline_mode<synchronous>, transform_indices = @transform_1, window_bounds = array<i64: 1153, 1153>}, {pipeline_mode = #tpu.pipeline_mode<synchronous>, transform_indices = @transform_2, window_bounds = array<i64: 1153, 8>}, {transform_indices = @transform_3, window_bounds = array<i64: 1, 1>}, {pipeline_mode = #tpu.pipeline_mode<synchronous>, transform_indices = @transform_4, window_bounds = array<i64: 1, 1153>}, {pipeline_mode = #tpu.pipeline_mode<synchronous>, transform_indices = @transform_5, window_bounds = array<i64: 1, 16>}]} {
    %eq3A = arith.constant 0 : i32
    %eq3A_0 = arith.cmpi eq, %arg0, %eq3A : i32
    %convert_element_type3A = arith.extui %eq3A_0 : i1 to i32
    %cond3A = arith.constant 0 : i32
    %cond3A_1 = arith.cmpi ne, %convert_element_type3A, %cond3A : i32
    scf.if %cond3A_1 {
      %swap3A_436 = arith.constant -1.000000e+30 : f32
      %swap3A_437 = arith.constant 0 : index
      %swap3A_438 = memref.load %arg7[%swap3A_437] : memref<8xf32, #tpu.memory_space<smem>>
      memref.store %swap3A_436, %arg7[%swap3A_437] : memref<8xf32, #tpu.memory_space<smem>>
      %swap3A_439 = arith.constant 0.000000e+00 : f32
      %swap3A_440 = arith.constant 0 : index
      %swap3A_441 = memref.load %arg8[%swap3A_440] : memref<8xf32, #tpu.memory_space<smem>>
      memref.store %swap3A_439, %arg8[%swap3A_440] : memref<8xf32, #tpu.memory_space<smem>>
      %swap3A_442 = arith.constant 0 : i32
      %swap3A_443 = arith.constant 0 : index
      %swap3A_444 = memref.load %arg9[%swap3A_443] : memref<8xi32, #tpu.memory_space<smem>>
      memref.store %swap3A_442, %arg9[%swap3A_443] : memref<8xi32, #tpu.memory_space<smem>>
      %swap3A_445 = arith.constant -1.000000e+30 : f32
      %swap3A_446 = arith.constant 1 : index
      %swap3A_447 = memref.load %arg7[%swap3A_446] : memref<8xf32, #tpu.memory_space<smem>>
      memref.store %swap3A_445, %arg7[%swap3A_446] : memref<8xf32, #tpu.memory_space<smem>>
      %swap3A_448 = arith.constant 0.000000e+00 : f32
      %swap3A_449 = arith.constant 1 : index
      %swap3A_450 = memref.load %arg8[%swap3A_449] : memref<8xf32, #tpu.memory_space<smem>>
      memref.store %swap3A_448, %arg8[%swap3A_449] : memref<8xf32, #tpu.memory_space<smem>>
      %swap3A_451 = arith.constant 0 : i32
      %swap3A_452 = arith.constant 1 : index
      %swap3A_453 = memref.load %arg9[%swap3A_452] : memref<8xi32, #tpu.memory_space<smem>>
      memref.store %swap3A_451, %arg9[%swap3A_452] : memref<8xi32, #tpu.memory_space<smem>>
      %swap3A_454 = arith.constant -1.000000e+30 : f32
      %swap3A_455 = arith.constant 2 : index
      %swap3A_456 = memref.load %arg7[%swap3A_455] : memref<8xf32, #tpu.memory_space<smem>>
      memref.store %swap3A_454, %arg7[%swap3A_455] : memref<8xf32, #tpu.memory_space<smem>>
      %swap3A_457 = arith.constant 0.000000e+00 : f32
      %swap3A_458 = arith.constant 2 : index
      %swap3A_459 = memref.load %arg8[%swap3A_458] : memref<8xf32, #tpu.memory_space<smem>>
      memref.store %swap3A_457, %arg8[%swap3A_458] : memref<8xf32, #tpu.memory_space<smem>>
      %swap3A_460 = arith.constant 0 : i32
      %swap3A_461 = arith.constant 2 : index
      %swap3A_462 = memref.load %arg9[%swap3A_461] : memref<8xi32, #tpu.memory_space<smem>>
      memref.store %swap3A_460, %arg9[%swap3A_461] : memref<8xi32, #tpu.memory_space<smem>>
      %swap3A_463 = arith.constant -1.000000e+30 : f32
      %swap3A_464 = arith.constant 3 : index
      %swap3A_465 = memref.load %arg7[%swap3A_464] : memref<8xf32, #tpu.memory_space<smem>>
      memref.store %swap3A_463, %arg7[%swap3A_464] : memref<8xf32, #tpu.memory_space<smem>>
      %swap3A_466 = arith.constant 0.000000e+00 : f32
      %swap3A_467 = arith.constant 3 : index
      %swap3A_468 = memref.load %arg8[%swap3A_467] : memref<8xf32, #tpu.memory_space<smem>>
      memref.store %swap3A_466, %arg8[%swap3A_467] : memref<8xf32, #tpu.memory_space<smem>>
      %swap3A_469 = arith.constant 0 : i32
      %swap3A_470 = arith.constant 3 : index
      %swap3A_471 = memref.load %arg9[%swap3A_470] : memref<8xi32, #tpu.memory_space<smem>>
      memref.store %swap3A_469, %arg9[%swap3A_470] : memref<8xi32, #tpu.memory_space<smem>>
      %swap3A_472 = arith.constant -1.000000e+30 : f32
      %swap3A_473 = arith.constant 4 : index
      %swap3A_474 = memref.load %arg7[%swap3A_473] : memref<8xf32, #tpu.memory_space<smem>>
      memref.store %swap3A_472, %arg7[%swap3A_473] : memref<8xf32, #tpu.memory_space<smem>>
      %swap3A_475 = arith.constant 0.000000e+00 : f32
      %swap3A_476 = arith.constant 4 : index
      %swap3A_477 = memref.load %arg8[%swap3A_476] : memref<8xf32, #tpu.memory_space<smem>>
      memref.store %swap3A_475, %arg8[%swap3A_476] : memref<8xf32, #tpu.memory_space<smem>>
      %swap3A_478 = arith.constant 0 : i32
      %swap3A_479 = arith.constant 4 : index
      %swap3A_480 = memref.load %arg9[%swap3A_479] : memref<8xi32, #tpu.memory_space<smem>>
      memref.store %swap3A_478, %arg9[%swap3A_479] : memref<8xi32, #tpu.memory_space<smem>>
      %swap3A_481 = arith.constant -1.000000e+30 : f32
      %swap3A_482 = arith.constant 5 : index
      %swap3A_483 = memref.load %arg7[%swap3A_482] : memref<8xf32, #tpu.memory_space<smem>>
      memref.store %swap3A_481, %arg7[%swap3A_482] : memref<8xf32, #tpu.memory_space<smem>>
      %swap3A_484 = arith.constant 0.000000e+00 : f32
      %swap3A_485 = arith.constant 5 : index
      %swap3A_486 = memref.load %arg8[%swap3A_485] : memref<8xf32, #tpu.memory_space<smem>>
      memref.store %swap3A_484, %arg8[%swap3A_485] : memref<8xf32, #tpu.memory_space<smem>>
      %swap3A_487 = arith.constant 0 : i32
      %swap3A_488 = arith.constant 5 : index
      %swap3A_489 = memref.load %arg9[%swap3A_488] : memref<8xi32, #tpu.memory_space<smem>>
      memref.store %swap3A_487, %arg9[%swap3A_488] : memref<8xi32, #tpu.memory_space<smem>>
      %swap3A_490 = arith.constant -1.000000e+30 : f32
      %swap3A_491 = arith.constant 6 : index
      %swap3A_492 = memref.load %arg7[%swap3A_491] : memref<8xf32, #tpu.memory_space<smem>>
      memref.store %swap3A_490, %arg7[%swap3A_491] : memref<8xf32, #tpu.memory_space<smem>>
      %swap3A_493 = arith.constant 0.000000e+00 : f32
      %swap3A_494 = arith.constant 6 : index
      %swap3A_495 = memref.load %arg8[%swap3A_494] : memref<8xf32, #tpu.memory_space<smem>>
      memref.store %swap3A_493, %arg8[%swap3A_494] : memref<8xf32, #tpu.memory_space<smem>>
      %swap3A_496 = arith.constant 0 : i32
      %swap3A_497 = arith.constant 6 : index
      %swap3A_498 = memref.load %arg9[%swap3A_497] : memref<8xi32, #tpu.memory_space<smem>>
      memref.store %swap3A_496, %arg9[%swap3A_497] : memref<8xi32, #tpu.memory_space<smem>>
      %swap3A_499 = arith.constant -1.000000e+30 : f32
      %swap3A_500 = arith.constant 7 : index
      %swap3A_501 = memref.load %arg7[%swap3A_500] : memref<8xf32, #tpu.memory_space<smem>>
      memref.store %swap3A_499, %arg7[%swap3A_500] : memref<8xf32, #tpu.memory_space<smem>>
      %swap3A_502 = arith.constant 0.000000e+00 : f32
      %swap3A_503 = arith.constant 7 : index
      %swap3A_504 = memref.load %arg8[%swap3A_503] : memref<8xf32, #tpu.memory_space<smem>>
      memref.store %swap3A_502, %arg8[%swap3A_503] : memref<8xf32, #tpu.memory_space<smem>>
      %swap3A_505 = arith.constant 0 : i32
      %swap3A_506 = arith.constant 7 : index
      %swap3A_507 = memref.load %arg9[%swap3A_506] : memref<8xi32, #tpu.memory_space<smem>>
      memref.store %swap3A_505, %arg9[%swap3A_506] : memref<8xi32, #tpu.memory_space<smem>>
    } else {
    }
    %get3A = arith.constant 0 : index
    %get3A_2 = arith.constant 0 : index
    %get3A_3 = vector.load %arg1[%get3A, %get3A_2] : memref<1153x1024xf32, #tpu.memory_space<vmem>>, vector<1153x1024xf32>
    %get3A_4 = arith.constant 0 : index
    %get3A_5 = arith.constant 0 : index
    %get3A_6 = vector.load %arg2[%get3A_4, %get3A_5] : memref<1153x1153xf32, #tpu.memory_space<vmem>>, vector<1153x1153xf32>
    %dot_general3A = arith.constant dense<0.000000e+00> : vector<1153x1024xf32>
    %dot_general3A_7 = tpu.matmul %get3A_6, %get3A_3, %dot_general3A {dimension_numbers = #tpu.dot_dimension_numbers<[1], [0], [0], [1], [0, 0, 1, 1], [], []>, transpose_lhs_hint = false} : vector<1153x1153xf32>, vector<1153x1024xf32>, vector<1153x1024xf32> -> vector<1153x1024xf32>
    %get3A_8 = arith.constant 0 : index
    %get3A_9 = arith.constant 0 : index
    %get3A_10 = vector.load %arg3[%get3A_8, %get3A_9] : memref<1153x8xf32, #tpu.memory_space<vmem>>, vector<1153x8xf32>
    %get3A_11 = arith.constant 0 : index
    %get3A_12 = arith.constant 0 : index
    %get3A_13 = vector.load %arg5[%get3A_11, %get3A_12] : memref<1x1153xf32, #tpu.memory_space<vmem>>, vector<1x1153xf32>
    %iota3A = tpu.iota {dimensions = array<i32: 1>} : vector<1x1024xi32>
    %slice3A = vector.extract_strided_slice %get3A_10 {offsets = [0, 0], sizes = [1153, 1], strides = [1, 1]} : vector<1153x8xf32> to vector<1153x1xf32>
    %add3A = vector.broadcast %slice3A : vector<1153x1xf32> to vector<1153x1024xf32>
    %add3A_14 = arith.addf %dot_general3A_7, %add3A : vector<1153x1024xf32>
    %tanh3A = math.tanh %add3A_14 : vector<1153x1024xf32>
    %dot_general3A_15 = arith.constant dense<0.000000e+00> : vector<1x1024xf32>
    %dot_general3A_16 = tpu.matmul %get3A_13, %tanh3A, %dot_general3A_15 {dimension_numbers = #tpu.dot_dimension_numbers<[1], [0], [0], [1], [0, 0, 1, 1], [], []>, transpose_lhs_hint = false} : vector<1x1153xf32>, vector<1153x1024xf32>, vector<1x1024xf32> -> vector<1x1024xf32>
    %reduce_max3A = vector.shape_cast %dot_general3A_16 : vector<1x1024xf32> to vector<1x1x1024xf32>
    %reduce_max3A_17 = arith.constant dense<0xFF800000> : vector<1xf32>
    %reduce_max3A_18 = vector.multi_reduction <maximumf>, %reduce_max3A, %reduce_max3A_17 [1, 2] : vector<1x1x1024xf32> to vector<1xf32>
    %reduce_max3A_19 = vector.shape_cast %reduce_max3A_18 : vector<1xf32> to vector<1x1x1xf32>
    %reduce_max3A_20 = vector.extract %reduce_max3A_19[0, 0, 0] : f32 from vector<1x1x1xf32>
    %eq3A_21 = vector.broadcast %reduce_max3A_20 : f32 to vector<1x1024xf32>
    %eq3A_22 = arith.cmpf oeq, %dot_general3A_16, %eq3A_21 : vector<1x1024xf32>
    %jit3A = arith.constant 8192 : i32
    %broadcast_in_dim3A = vector.broadcast %jit3A : i32 to vector<1x1024xi32>
    %select_n3A = arith.select %eq3A_22, %iota3A, %broadcast_in_dim3A : vector<1x1024xi1>, vector<1x1024xi32>
    %reduce_min3A = vector.shape_cast %select_n3A : vector<1x1024xi32> to vector<1x1x1024xi32>
    %reduce_min3A_23 = arith.constant dense<2147483647> : vector<1xi32>
    %reduce_min3A_24 = vector.multi_reduction <minsi>, %reduce_min3A, %reduce_min3A_23 [1, 2] : vector<1x1x1024xi32> to vector<1xi32>
    %reduce_min3A_25 = vector.shape_cast %reduce_min3A_24 : vector<1xi32> to vector<1x1x1xi32>
    %reduce_min3A_26 = vector.extract %reduce_min3A_25[0, 0, 0] : i32 from vector<1x1x1xi32>
    %sub3A = vector.broadcast %reduce_max3A_20 : f32 to vector<1x1024xf32>
    %sub3A_27 = arith.subf %dot_general3A_16, %sub3A : vector<1x1024xf32>
    %exp3A = math.exp %sub3A_27 : vector<1x1024xf32>
    %reduce_sum3A = vector.shape_cast %exp3A : vector<1x1024xf32> to vector<1x1x1024xf32>
    %reduce_sum3A_28 = arith.constant dense<0.000000e+00> : vector<1xf32>
    %reduce_sum3A_29 = vector.multi_reduction <add>, %reduce_sum3A, %reduce_sum3A_28 [1, 2] : vector<1x1x1024xf32> to vector<1xf32>
    %reduce_sum3A_30 = vector.shape_cast %reduce_sum3A_29 : vector<1xf32> to vector<1x1x1xf32>
    %reduce_sum3A_31 = vector.extract %reduce_sum3A_30[0, 0, 0] : f32 from vector<1x1x1xf32>
    %get3A_32 = arith.constant 0 : index
    %get3A_33 = memref.load %arg7[%get3A_32] : memref<8xf32, #tpu.memory_space<smem>>
    %get3A_34 = arith.constant 0 : index
    %get3A_35 = memref.load %arg8[%get3A_34] : memref<8xf32, #tpu.memory_space<smem>>
    %max3A = arith.maximumf %get3A_33, %reduce_max3A_20 : f32
    %sub3A_36 = arith.subf %get3A_33, %max3A : f32
    %exp3A_37 = math.exp %sub3A_36 : f32
    %mul3A = arith.mulf %get3A_35, %exp3A_37 : f32
    %sub3A_38 = arith.subf %reduce_max3A_20, %max3A : f32
    %exp3A_39 = math.exp %sub3A_38 : f32
    %mul3A_40 = arith.mulf %reduce_sum3A_31, %exp3A_39 : f32
    %add3A_41 = arith.addf %mul3A, %mul3A_40 : f32
    %swap3A = arith.constant 0 : index
    %swap3A_42 = memref.load %arg8[%swap3A] : memref<8xf32, #tpu.memory_space<smem>>
    memref.store %add3A_41, %arg8[%swap3A] : memref<8xf32, #tpu.memory_space<smem>>
    %gt3A = arith.cmpf ogt, %reduce_max3A_20, %get3A_33 : f32
    %mul3A_43 = arith.constant 1024 : i32
    %mul3A_44 = arith.muli %arg0, %mul3A_43 : i32
    %add3A_45 = arith.addi %mul3A_44, %reduce_min3A_26 : i32
    %get3A_46 = arith.constant 0 : index
    %get3A_47 = memref.load %arg9[%get3A_46] : memref<8xi32, #tpu.memory_space<smem>>
    %select_n3A_48 = arith.select %gt3A, %add3A_45, %get3A_47 : i32
    %swap3A_49 = arith.constant 0 : index
    %swap3A_50 = memref.load %arg9[%swap3A_49] : memref<8xi32, #tpu.memory_space<smem>>
    memref.store %select_n3A_48, %arg9[%swap3A_49] : memref<8xi32, #tpu.memory_space<smem>>
    %swap3A_51 = arith.constant 0 : index
    %swap3A_52 = memref.load %arg7[%swap3A_51] : memref<8xf32, #tpu.memory_space<smem>>
    memref.store %max3A, %arg7[%swap3A_51] : memref<8xf32, #tpu.memory_space<smem>>
    %slice3A_53 = vector.extract_strided_slice %get3A_10 {offsets = [0, 1], sizes = [1153, 1], strides = [1, 1]} : vector<1153x8xf32> to vector<1153x1xf32>
    %add3A_54 = vector.broadcast %slice3A_53 : vector<1153x1xf32> to vector<1153x1024xf32>
    %add3A_55 = arith.addf %dot_general3A_7, %add3A_54 : vector<1153x1024xf32>
    %tanh3A_56 = math.tanh %add3A_55 : vector<1153x1024xf32>
    %dot_general3A_57 = arith.constant dense<0.000000e+00> : vector<1x1024xf32>
    %dot_general3A_58 = tpu.matmul %get3A_13, %tanh3A_56, %dot_general3A_57 {dimension_numbers = #tpu.dot_dimension_numbers<[1], [0], [0], [1], [0, 0, 1, 1], [], []>, transpose_lhs_hint = false} : vector<1x1153xf32>, vector<1153x1024xf32>, vector<1x1024xf32> -> vector<1x1024xf32>
    %reduce_max3A_59 = vector.shape_cast %dot_general3A_58 : vector<1x1024xf32> to vector<1x1x1024xf32>
    %reduce_max3A_60 = arith.constant dense<0xFF800000> : vector<1xf32>
    %reduce_max3A_61 = vector.multi_reduction <maximumf>, %reduce_max3A_59, %reduce_max3A_60 [1, 2] : vector<1x1x1024xf32> to vector<1xf32>
    %reduce_max3A_62 = vector.shape_cast %reduce_max3A_61 : vector<1xf32> to vector<1x1x1xf32>
    %reduce_max3A_63 = vector.extract %reduce_max3A_62[0, 0, 0] : f32 from vector<1x1x1xf32>
    %eq3A_64 = vector.broadcast %reduce_max3A_63 : f32 to vector<1x1024xf32>
    %eq3A_65 = arith.cmpf oeq, %dot_general3A_58, %eq3A_64 : vector<1x1024xf32>
    %jit3A_66 = arith.constant 8192 : i32
    %broadcast_in_dim3A_67 = vector.broadcast %jit3A_66 : i32 to vector<1x1024xi32>
    %select_n3A_68 = arith.select %eq3A_65, %iota3A, %broadcast_in_dim3A_67 : vector<1x1024xi1>, vector<1x1024xi32>
    %reduce_min3A_69 = vector.shape_cast %select_n3A_68 : vector<1x1024xi32> to vector<1x1x1024xi32>
    %reduce_min3A_70 = arith.constant dense<2147483647> : vector<1xi32>
    %reduce_min3A_71 = vector.multi_reduction <minsi>, %reduce_min3A_69, %reduce_min3A_70 [1, 2] : vector<1x1x1024xi32> to vector<1xi32>
    %reduce_min3A_72 = vector.shape_cast %reduce_min3A_71 : vector<1xi32> to vector<1x1x1xi32>
    %reduce_min3A_73 = vector.extract %reduce_min3A_72[0, 0, 0] : i32 from vector<1x1x1xi32>
    %sub3A_74 = vector.broadcast %reduce_max3A_63 : f32 to vector<1x1024xf32>
    %sub3A_75 = arith.subf %dot_general3A_58, %sub3A_74 : vector<1x1024xf32>
    %exp3A_76 = math.exp %sub3A_75 : vector<1x1024xf32>
    %reduce_sum3A_77 = vector.shape_cast %exp3A_76 : vector<1x1024xf32> to vector<1x1x1024xf32>
    %reduce_sum3A_78 = arith.constant dense<0.000000e+00> : vector<1xf32>
    %reduce_sum3A_79 = vector.multi_reduction <add>, %reduce_sum3A_77, %reduce_sum3A_78 [1, 2] : vector<1x1x1024xf32> to vector<1xf32>
    %reduce_sum3A_80 = vector.shape_cast %reduce_sum3A_79 : vector<1xf32> to vector<1x1x1xf32>
    %reduce_sum3A_81 = vector.extract %reduce_sum3A_80[0, 0, 0] : f32 from vector<1x1x1xf32>
    %get3A_82 = arith.constant 1 : index
    %get3A_83 = memref.load %arg7[%get3A_82] : memref<8xf32, #tpu.memory_space<smem>>
    %get3A_84 = arith.constant 1 : index
    %get3A_85 = memref.load %arg8[%get3A_84] : memref<8xf32, #tpu.memory_space<smem>>
    %max3A_86 = arith.maximumf %get3A_83, %reduce_max3A_63 : f32
    %sub3A_87 = arith.subf %get3A_83, %max3A_86 : f32
    %exp3A_88 = math.exp %sub3A_87 : f32
    %mul3A_89 = arith.mulf %get3A_85, %exp3A_88 : f32
    %sub3A_90 = arith.subf %reduce_max3A_63, %max3A_86 : f32
    %exp3A_91 = math.exp %sub3A_90 : f32
    %mul3A_92 = arith.mulf %reduce_sum3A_81, %exp3A_91 : f32
    %add3A_93 = arith.addf %mul3A_89, %mul3A_92 : f32
    %swap3A_94 = arith.constant 1 : index
    %swap3A_95 = memref.load %arg8[%swap3A_94] : memref<8xf32, #tpu.memory_space<smem>>
    memref.store %add3A_93, %arg8[%swap3A_94] : memref<8xf32, #tpu.memory_space<smem>>
    %gt3A_96 = arith.cmpf ogt, %reduce_max3A_63, %get3A_83 : f32
    %mul3A_97 = arith.constant 1024 : i32
    %mul3A_98 = arith.muli %arg0, %mul3A_97 : i32
    %add3A_99 = arith.addi %mul3A_98, %reduce_min3A_73 : i32
    %get3A_100 = arith.constant 1 : index
    %get3A_101 = memref.load %arg9[%get3A_100] : memref<8xi32, #tpu.memory_space<smem>>
    %select_n3A_102 = arith.select %gt3A_96, %add3A_99, %get3A_101 : i32
    %swap3A_103 = arith.constant 1 : index
    %swap3A_104 = memref.load %arg9[%swap3A_103] : memref<8xi32, #tpu.memory_space<smem>>
    memref.store %select_n3A_102, %arg9[%swap3A_103] : memref<8xi32, #tpu.memory_space<smem>>
    %swap3A_105 = arith.constant 1 : index
    %swap3A_106 = memref.load %arg7[%swap3A_105] : memref<8xf32, #tpu.memory_space<smem>>
    memref.store %max3A_86, %arg7[%swap3A_105] : memref<8xf32, #tpu.memory_space<smem>>
    %slice3A_107 = vector.extract_strided_slice %get3A_10 {offsets = [0, 2], sizes = [1153, 1], strides = [1, 1]} : vector<1153x8xf32> to vector<1153x1xf32>
    %add3A_108 = vector.broadcast %slice3A_107 : vector<1153x1xf32> to vector<1153x1024xf32>
    %add3A_109 = arith.addf %dot_general3A_7, %add3A_108 : vector<1153x1024xf32>
    %tanh3A_110 = math.tanh %add3A_109 : vector<1153x1024xf32>
    %dot_general3A_111 = arith.constant dense<0.000000e+00> : vector<1x1024xf32>
    %dot_general3A_112 = tpu.matmul %get3A_13, %tanh3A_110, %dot_general3A_111 {dimension_numbers = #tpu.dot_dimension_numbers<[1], [0], [0], [1], [0, 0, 1, 1], [], []>, transpose_lhs_hint = false} : vector<1x1153xf32>, vector<1153x1024xf32>, vector<1x1024xf32> -> vector<1x1024xf32>
    %reduce_max3A_113 = vector.shape_cast %dot_general3A_112 : vector<1x1024xf32> to vector<1x1x1024xf32>
    %reduce_max3A_114 = arith.constant dense<0xFF800000> : vector<1xf32>
    %reduce_max3A_115 = vector.multi_reduction <maximumf>, %reduce_max3A_113, %reduce_max3A_114 [1, 2] : vector<1x1x1024xf32> to vector<1xf32>
    %reduce_max3A_116 = vector.shape_cast %reduce_max3A_115 : vector<1xf32> to vector<1x1x1xf32>
    %reduce_max3A_117 = vector.extract %reduce_max3A_116[0, 0, 0] : f32 from vector<1x1x1xf32>
    %eq3A_118 = vector.broadcast %reduce_max3A_117 : f32 to vector<1x1024xf32>
    %eq3A_119 = arith.cmpf oeq, %dot_general3A_112, %eq3A_118 : vector<1x1024xf32>
    %jit3A_120 = arith.constant 8192 : i32
    %broadcast_in_dim3A_121 = vector.broadcast %jit3A_120 : i32 to vector<1x1024xi32>
    %select_n3A_122 = arith.select %eq3A_119, %iota3A, %broadcast_in_dim3A_121 : vector<1x1024xi1>, vector<1x1024xi32>
    %reduce_min3A_123 = vector.shape_cast %select_n3A_122 : vector<1x1024xi32> to vector<1x1x1024xi32>
    %reduce_min3A_124 = arith.constant dense<2147483647> : vector<1xi32>
    %reduce_min3A_125 = vector.multi_reduction <minsi>, %reduce_min3A_123, %reduce_min3A_124 [1, 2] : vector<1x1x1024xi32> to vector<1xi32>
    %reduce_min3A_126 = vector.shape_cast %reduce_min3A_125 : vector<1xi32> to vector<1x1x1xi32>
    %reduce_min3A_127 = vector.extract %reduce_min3A_126[0, 0, 0] : i32 from vector<1x1x1xi32>
    %sub3A_128 = vector.broadcast %reduce_max3A_117 : f32 to vector<1x1024xf32>
    %sub3A_129 = arith.subf %dot_general3A_112, %sub3A_128 : vector<1x1024xf32>
    %exp3A_130 = math.exp %sub3A_129 : vector<1x1024xf32>
    %reduce_sum3A_131 = vector.shape_cast %exp3A_130 : vector<1x1024xf32> to vector<1x1x1024xf32>
    %reduce_sum3A_132 = arith.constant dense<0.000000e+00> : vector<1xf32>
    %reduce_sum3A_133 = vector.multi_reduction <add>, %reduce_sum3A_131, %reduce_sum3A_132 [1, 2] : vector<1x1x1024xf32> to vector<1xf32>
    %reduce_sum3A_134 = vector.shape_cast %reduce_sum3A_133 : vector<1xf32> to vector<1x1x1xf32>
    %reduce_sum3A_135 = vector.extract %reduce_sum3A_134[0, 0, 0] : f32 from vector<1x1x1xf32>
    %get3A_136 = arith.constant 2 : index
    %get3A_137 = memref.load %arg7[%get3A_136] : memref<8xf32, #tpu.memory_space<smem>>
    %get3A_138 = arith.constant 2 : index
    %get3A_139 = memref.load %arg8[%get3A_138] : memref<8xf32, #tpu.memory_space<smem>>
    %max3A_140 = arith.maximumf %get3A_137, %reduce_max3A_117 : f32
    %sub3A_141 = arith.subf %get3A_137, %max3A_140 : f32
    %exp3A_142 = math.exp %sub3A_141 : f32
    %mul3A_143 = arith.mulf %get3A_139, %exp3A_142 : f32
    %sub3A_144 = arith.subf %reduce_max3A_117, %max3A_140 : f32
    %exp3A_145 = math.exp %sub3A_144 : f32
    %mul3A_146 = arith.mulf %reduce_sum3A_135, %exp3A_145 : f32
    %add3A_147 = arith.addf %mul3A_143, %mul3A_146 : f32
    %swap3A_148 = arith.constant 2 : index
    %swap3A_149 = memref.load %arg8[%swap3A_148] : memref<8xf32, #tpu.memory_space<smem>>
    memref.store %add3A_147, %arg8[%swap3A_148] : memref<8xf32, #tpu.memory_space<smem>>
    %gt3A_150 = arith.cmpf ogt, %reduce_max3A_117, %get3A_137 : f32
    %mul3A_151 = arith.constant 1024 : i32
    %mul3A_152 = arith.muli %arg0, %mul3A_151 : i32
    %add3A_153 = arith.addi %mul3A_152, %reduce_min3A_127 : i32
    %get3A_154 = arith.constant 2 : index
    %get3A_155 = memref.load %arg9[%get3A_154] : memref<8xi32, #tpu.memory_space<smem>>
    %select_n3A_156 = arith.select %gt3A_150, %add3A_153, %get3A_155 : i32
    %swap3A_157 = arith.constant 2 : index
    %swap3A_158 = memref.load %arg9[%swap3A_157] : memref<8xi32, #tpu.memory_space<smem>>
    memref.store %select_n3A_156, %arg9[%swap3A_157] : memref<8xi32, #tpu.memory_space<smem>>
    %swap3A_159 = arith.constant 2 : index
    %swap3A_160 = memref.load %arg7[%swap3A_159] : memref<8xf32, #tpu.memory_space<smem>>
    memref.store %max3A_140, %arg7[%swap3A_159] : memref<8xf32, #tpu.memory_space<smem>>
    %slice3A_161 = vector.extract_strided_slice %get3A_10 {offsets = [0, 3], sizes = [1153, 1], strides = [1, 1]} : vector<1153x8xf32> to vector<1153x1xf32>
    %add3A_162 = vector.broadcast %slice3A_161 : vector<1153x1xf32> to vector<1153x1024xf32>
    %add3A_163 = arith.addf %dot_general3A_7, %add3A_162 : vector<1153x1024xf32>
    %tanh3A_164 = math.tanh %add3A_163 : vector<1153x1024xf32>
    %dot_general3A_165 = arith.constant dense<0.000000e+00> : vector<1x1024xf32>
    %dot_general3A_166 = tpu.matmul %get3A_13, %tanh3A_164, %dot_general3A_165 {dimension_numbers = #tpu.dot_dimension_numbers<[1], [0], [0], [1], [0, 0, 1, 1], [], []>, transpose_lhs_hint = false} : vector<1x1153xf32>, vector<1153x1024xf32>, vector<1x1024xf32> -> vector<1x1024xf32>
    %reduce_max3A_167 = vector.shape_cast %dot_general3A_166 : vector<1x1024xf32> to vector<1x1x1024xf32>
    %reduce_max3A_168 = arith.constant dense<0xFF800000> : vector<1xf32>
    %reduce_max3A_169 = vector.multi_reduction <maximumf>, %reduce_max3A_167, %reduce_max3A_168 [1, 2] : vector<1x1x1024xf32> to vector<1xf32>
    %reduce_max3A_170 = vector.shape_cast %reduce_max3A_169 : vector<1xf32> to vector<1x1x1xf32>
    %reduce_max3A_171 = vector.extract %reduce_max3A_170[0, 0, 0] : f32 from vector<1x1x1xf32>
    %eq3A_172 = vector.broadcast %reduce_max3A_171 : f32 to vector<1x1024xf32>
    %eq3A_173 = arith.cmpf oeq, %dot_general3A_166, %eq3A_172 : vector<1x1024xf32>
    %jit3A_174 = arith.constant 8192 : i32
    %broadcast_in_dim3A_175 = vector.broadcast %jit3A_174 : i32 to vector<1x1024xi32>
    %select_n3A_176 = arith.select %eq3A_173, %iota3A, %broadcast_in_dim3A_175 : vector<1x1024xi1>, vector<1x1024xi32>
    %reduce_min3A_177 = vector.shape_cast %select_n3A_176 : vector<1x1024xi32> to vector<1x1x1024xi32>
    %reduce_min3A_178 = arith.constant dense<2147483647> : vector<1xi32>
    %reduce_min3A_179 = vector.multi_reduction <minsi>, %reduce_min3A_177, %reduce_min3A_178 [1, 2] : vector<1x1x1024xi32> to vector<1xi32>
    %reduce_min3A_180 = vector.shape_cast %reduce_min3A_179 : vector<1xi32> to vector<1x1x1xi32>
    %reduce_min3A_181 = vector.extract %reduce_min3A_180[0, 0, 0] : i32 from vector<1x1x1xi32>
    %sub3A_182 = vector.broadcast %reduce_max3A_171 : f32 to vector<1x1024xf32>
    %sub3A_183 = arith.subf %dot_general3A_166, %sub3A_182 : vector<1x1024xf32>
    %exp3A_184 = math.exp %sub3A_183 : vector<1x1024xf32>
    %reduce_sum3A_185 = vector.shape_cast %exp3A_184 : vector<1x1024xf32> to vector<1x1x1024xf32>
    %reduce_sum3A_186 = arith.constant dense<0.000000e+00> : vector<1xf32>
    %reduce_sum3A_187 = vector.multi_reduction <add>, %reduce_sum3A_185, %reduce_sum3A_186 [1, 2] : vector<1x1x1024xf32> to vector<1xf32>
    %reduce_sum3A_188 = vector.shape_cast %reduce_sum3A_187 : vector<1xf32> to vector<1x1x1xf32>
    %reduce_sum3A_189 = vector.extract %reduce_sum3A_188[0, 0, 0] : f32 from vector<1x1x1xf32>
    %get3A_190 = arith.constant 3 : index
    %get3A_191 = memref.load %arg7[%get3A_190] : memref<8xf32, #tpu.memory_space<smem>>
    %get3A_192 = arith.constant 3 : index
    %get3A_193 = memref.load %arg8[%get3A_192] : memref<8xf32, #tpu.memory_space<smem>>
    %max3A_194 = arith.maximumf %get3A_191, %reduce_max3A_171 : f32
    %sub3A_195 = arith.subf %get3A_191, %max3A_194 : f32
    %exp3A_196 = math.exp %sub3A_195 : f32
    %mul3A_197 = arith.mulf %get3A_193, %exp3A_196 : f32
    %sub3A_198 = arith.subf %reduce_max3A_171, %max3A_194 : f32
    %exp3A_199 = math.exp %sub3A_198 : f32
    %mul3A_200 = arith.mulf %reduce_sum3A_189, %exp3A_199 : f32
    %add3A_201 = arith.addf %mul3A_197, %mul3A_200 : f32
    %swap3A_202 = arith.constant 3 : index
    %swap3A_203 = memref.load %arg8[%swap3A_202] : memref<8xf32, #tpu.memory_space<smem>>
    memref.store %add3A_201, %arg8[%swap3A_202] : memref<8xf32, #tpu.memory_space<smem>>
    %gt3A_204 = arith.cmpf ogt, %reduce_max3A_171, %get3A_191 : f32
    %mul3A_205 = arith.constant 1024 : i32
    %mul3A_206 = arith.muli %arg0, %mul3A_205 : i32
    %add3A_207 = arith.addi %mul3A_206, %reduce_min3A_181 : i32
    %get3A_208 = arith.constant 3 : index
    %get3A_209 = memref.load %arg9[%get3A_208] : memref<8xi32, #tpu.memory_space<smem>>
    %select_n3A_210 = arith.select %gt3A_204, %add3A_207, %get3A_209 : i32
    %swap3A_211 = arith.constant 3 : index
    %swap3A_212 = memref.load %arg9[%swap3A_211] : memref<8xi32, #tpu.memory_space<smem>>
    memref.store %select_n3A_210, %arg9[%swap3A_211] : memref<8xi32, #tpu.memory_space<smem>>
    %swap3A_213 = arith.constant 3 : index
    %swap3A_214 = memref.load %arg7[%swap3A_213] : memref<8xf32, #tpu.memory_space<smem>>
    memref.store %max3A_194, %arg7[%swap3A_213] : memref<8xf32, #tpu.memory_space<smem>>
    %slice3A_215 = vector.extract_strided_slice %get3A_10 {offsets = [0, 4], sizes = [1153, 1], strides = [1, 1]} : vector<1153x8xf32> to vector<1153x1xf32>
    %add3A_216 = vector.broadcast %slice3A_215 : vector<1153x1xf32> to vector<1153x1024xf32>
    %add3A_217 = arith.addf %dot_general3A_7, %add3A_216 : vector<1153x1024xf32>
    %tanh3A_218 = math.tanh %add3A_217 : vector<1153x1024xf32>
    %dot_general3A_219 = arith.constant dense<0.000000e+00> : vector<1x1024xf32>
    %dot_general3A_220 = tpu.matmul %get3A_13, %tanh3A_218, %dot_general3A_219 {dimension_numbers = #tpu.dot_dimension_numbers<[1], [0], [0], [1], [0, 0, 1, 1], [], []>, transpose_lhs_hint = false} : vector<1x1153xf32>, vector<1153x1024xf32>, vector<1x1024xf32> -> vector<1x1024xf32>
    %reduce_max3A_221 = vector.shape_cast %dot_general3A_220 : vector<1x1024xf32> to vector<1x1x1024xf32>
    %reduce_max3A_222 = arith.constant dense<0xFF800000> : vector<1xf32>
    %reduce_max3A_223 = vector.multi_reduction <maximumf>, %reduce_max3A_221, %reduce_max3A_222 [1, 2] : vector<1x1x1024xf32> to vector<1xf32>
    %reduce_max3A_224 = vector.shape_cast %reduce_max3A_223 : vector<1xf32> to vector<1x1x1xf32>
    %reduce_max3A_225 = vector.extract %reduce_max3A_224[0, 0, 0] : f32 from vector<1x1x1xf32>
    %eq3A_226 = vector.broadcast %reduce_max3A_225 : f32 to vector<1x1024xf32>
    %eq3A_227 = arith.cmpf oeq, %dot_general3A_220, %eq3A_226 : vector<1x1024xf32>
    %jit3A_228 = arith.constant 8192 : i32
    %broadcast_in_dim3A_229 = vector.broadcast %jit3A_228 : i32 to vector<1x1024xi32>
    %select_n3A_230 = arith.select %eq3A_227, %iota3A, %broadcast_in_dim3A_229 : vector<1x1024xi1>, vector<1x1024xi32>
    %reduce_min3A_231 = vector.shape_cast %select_n3A_230 : vector<1x1024xi32> to vector<1x1x1024xi32>
    %reduce_min3A_232 = arith.constant dense<2147483647> : vector<1xi32>
    %reduce_min3A_233 = vector.multi_reduction <minsi>, %reduce_min3A_231, %reduce_min3A_232 [1, 2] : vector<1x1x1024xi32> to vector<1xi32>
    %reduce_min3A_234 = vector.shape_cast %reduce_min3A_233 : vector<1xi32> to vector<1x1x1xi32>
    %reduce_min3A_235 = vector.extract %reduce_min3A_234[0, 0, 0] : i32 from vector<1x1x1xi32>
    %sub3A_236 = vector.broadcast %reduce_max3A_225 : f32 to vector<1x1024xf32>
    %sub3A_237 = arith.subf %dot_general3A_220, %sub3A_236 : vector<1x1024xf32>
    %exp3A_238 = math.exp %sub3A_237 : vector<1x1024xf32>
    %reduce_sum3A_239 = vector.shape_cast %exp3A_238 : vector<1x1024xf32> to vector<1x1x1024xf32>
    %reduce_sum3A_240 = arith.constant dense<0.000000e+00> : vector<1xf32>
    %reduce_sum3A_241 = vector.multi_reduction <add>, %reduce_sum3A_239, %reduce_sum3A_240 [1, 2] : vector<1x1x1024xf32> to vector<1xf32>
    %reduce_sum3A_242 = vector.shape_cast %reduce_sum3A_241 : vector<1xf32> to vector<1x1x1xf32>
    %reduce_sum3A_243 = vector.extract %reduce_sum3A_242[0, 0, 0] : f32 from vector<1x1x1xf32>
    %get3A_244 = arith.constant 4 : index
    %get3A_245 = memref.load %arg7[%get3A_244] : memref<8xf32, #tpu.memory_space<smem>>
    %get3A_246 = arith.constant 4 : index
    %get3A_247 = memref.load %arg8[%get3A_246] : memref<8xf32, #tpu.memory_space<smem>>
    %max3A_248 = arith.maximumf %get3A_245, %reduce_max3A_225 : f32
    %sub3A_249 = arith.subf %get3A_245, %max3A_248 : f32
    %exp3A_250 = math.exp %sub3A_249 : f32
    %mul3A_251 = arith.mulf %get3A_247, %exp3A_250 : f32
    %sub3A_252 = arith.subf %reduce_max3A_225, %max3A_248 : f32
    %exp3A_253 = math.exp %sub3A_252 : f32
    %mul3A_254 = arith.mulf %reduce_sum3A_243, %exp3A_253 : f32
    %add3A_255 = arith.addf %mul3A_251, %mul3A_254 : f32
    %swap3A_256 = arith.constant 4 : index
    %swap3A_257 = memref.load %arg8[%swap3A_256] : memref<8xf32, #tpu.memory_space<smem>>
    memref.store %add3A_255, %arg8[%swap3A_256] : memref<8xf32, #tpu.memory_space<smem>>
    %gt3A_258 = arith.cmpf ogt, %reduce_max3A_225, %get3A_245 : f32
    %mul3A_259 = arith.constant 1024 : i32
    %mul3A_260 = arith.muli %arg0, %mul3A_259 : i32
    %add3A_261 = arith.addi %mul3A_260, %reduce_min3A_235 : i32
    %get3A_262 = arith.constant 4 : index
    %get3A_263 = memref.load %arg9[%get3A_262] : memref<8xi32, #tpu.memory_space<smem>>
    %select_n3A_264 = arith.select %gt3A_258, %add3A_261, %get3A_263 : i32
    %swap3A_265 = arith.constant 4 : index
    %swap3A_266 = memref.load %arg9[%swap3A_265] : memref<8xi32, #tpu.memory_space<smem>>
    memref.store %select_n3A_264, %arg9[%swap3A_265] : memref<8xi32, #tpu.memory_space<smem>>
    %swap3A_267 = arith.constant 4 : index
    %swap3A_268 = memref.load %arg7[%swap3A_267] : memref<8xf32, #tpu.memory_space<smem>>
    memref.store %max3A_248, %arg7[%swap3A_267] : memref<8xf32, #tpu.memory_space<smem>>
    %slice3A_269 = vector.extract_strided_slice %get3A_10 {offsets = [0, 5], sizes = [1153, 1], strides = [1, 1]} : vector<1153x8xf32> to vector<1153x1xf32>
    %add3A_270 = vector.broadcast %slice3A_269 : vector<1153x1xf32> to vector<1153x1024xf32>
    %add3A_271 = arith.addf %dot_general3A_7, %add3A_270 : vector<1153x1024xf32>
    %tanh3A_272 = math.tanh %add3A_271 : vector<1153x1024xf32>
    %dot_general3A_273 = arith.constant dense<0.000000e+00> : vector<1x1024xf32>
    %dot_general3A_274 = tpu.matmul %get3A_13, %tanh3A_272, %dot_general3A_273 {dimension_numbers = #tpu.dot_dimension_numbers<[1], [0], [0], [1], [0, 0, 1, 1], [], []>, transpose_lhs_hint = false} : vector<1x1153xf32>, vector<1153x1024xf32>, vector<1x1024xf32> -> vector<1x1024xf32>
    %reduce_max3A_275 = vector.shape_cast %dot_general3A_274 : vector<1x1024xf32> to vector<1x1x1024xf32>
    %reduce_max3A_276 = arith.constant dense<0xFF800000> : vector<1xf32>
    %reduce_max3A_277 = vector.multi_reduction <maximumf>, %reduce_max3A_275, %reduce_max3A_276 [1, 2] : vector<1x1x1024xf32> to vector<1xf32>
    %reduce_max3A_278 = vector.shape_cast %reduce_max3A_277 : vector<1xf32> to vector<1x1x1xf32>
    %reduce_max3A_279 = vector.extract %reduce_max3A_278[0, 0, 0] : f32 from vector<1x1x1xf32>
    %eq3A_280 = vector.broadcast %reduce_max3A_279 : f32 to vector<1x1024xf32>
    %eq3A_281 = arith.cmpf oeq, %dot_general3A_274, %eq3A_280 : vector<1x1024xf32>
    %jit3A_282 = arith.constant 8192 : i32
    %broadcast_in_dim3A_283 = vector.broadcast %jit3A_282 : i32 to vector<1x1024xi32>
    %select_n3A_284 = arith.select %eq3A_281, %iota3A, %broadcast_in_dim3A_283 : vector<1x1024xi1>, vector<1x1024xi32>
    %reduce_min3A_285 = vector.shape_cast %select_n3A_284 : vector<1x1024xi32> to vector<1x1x1024xi32>
    %reduce_min3A_286 = arith.constant dense<2147483647> : vector<1xi32>
    %reduce_min3A_287 = vector.multi_reduction <minsi>, %reduce_min3A_285, %reduce_min3A_286 [1, 2] : vector<1x1x1024xi32> to vector<1xi32>
    %reduce_min3A_288 = vector.shape_cast %reduce_min3A_287 : vector<1xi32> to vector<1x1x1xi32>
    %reduce_min3A_289 = vector.extract %reduce_min3A_288[0, 0, 0] : i32 from vector<1x1x1xi32>
    %sub3A_290 = vector.broadcast %reduce_max3A_279 : f32 to vector<1x1024xf32>
    %sub3A_291 = arith.subf %dot_general3A_274, %sub3A_290 : vector<1x1024xf32>
    %exp3A_292 = math.exp %sub3A_291 : vector<1x1024xf32>
    %reduce_sum3A_293 = vector.shape_cast %exp3A_292 : vector<1x1024xf32> to vector<1x1x1024xf32>
    %reduce_sum3A_294 = arith.constant dense<0.000000e+00> : vector<1xf32>
    %reduce_sum3A_295 = vector.multi_reduction <add>, %reduce_sum3A_293, %reduce_sum3A_294 [1, 2] : vector<1x1x1024xf32> to vector<1xf32>
    %reduce_sum3A_296 = vector.shape_cast %reduce_sum3A_295 : vector<1xf32> to vector<1x1x1xf32>
    %reduce_sum3A_297 = vector.extract %reduce_sum3A_296[0, 0, 0] : f32 from vector<1x1x1xf32>
    %get3A_298 = arith.constant 5 : index
    %get3A_299 = memref.load %arg7[%get3A_298] : memref<8xf32, #tpu.memory_space<smem>>
    %get3A_300 = arith.constant 5 : index
    %get3A_301 = memref.load %arg8[%get3A_300] : memref<8xf32, #tpu.memory_space<smem>>
    %max3A_302 = arith.maximumf %get3A_299, %reduce_max3A_279 : f32
    %sub3A_303 = arith.subf %get3A_299, %max3A_302 : f32
    %exp3A_304 = math.exp %sub3A_303 : f32
    %mul3A_305 = arith.mulf %get3A_301, %exp3A_304 : f32
    %sub3A_306 = arith.subf %reduce_max3A_279, %max3A_302 : f32
    %exp3A_307 = math.exp %sub3A_306 : f32
    %mul3A_308 = arith.mulf %reduce_sum3A_297, %exp3A_307 : f32
    %add3A_309 = arith.addf %mul3A_305, %mul3A_308 : f32
    %swap3A_310 = arith.constant 5 : index
    %swap3A_311 = memref.load %arg8[%swap3A_310] : memref<8xf32, #tpu.memory_space<smem>>
    memref.store %add3A_309, %arg8[%swap3A_310] : memref<8xf32, #tpu.memory_space<smem>>
    %gt3A_312 = arith.cmpf ogt, %reduce_max3A_279, %get3A_299 : f32
    %mul3A_313 = arith.constant 1024 : i32
    %mul3A_314 = arith.muli %arg0, %mul3A_313 : i32
    %add3A_315 = arith.addi %mul3A_314, %reduce_min3A_289 : i32
    %get3A_316 = arith.constant 5 : index
    %get3A_317 = memref.load %arg9[%get3A_316] : memref<8xi32, #tpu.memory_space<smem>>
    %select_n3A_318 = arith.select %gt3A_312, %add3A_315, %get3A_317 : i32
    %swap3A_319 = arith.constant 5 : index
    %swap3A_320 = memref.load %arg9[%swap3A_319] : memref<8xi32, #tpu.memory_space<smem>>
    memref.store %select_n3A_318, %arg9[%swap3A_319] : memref<8xi32, #tpu.memory_space<smem>>
    %swap3A_321 = arith.constant 5 : index
    %swap3A_322 = memref.load %arg7[%swap3A_321] : memref<8xf32, #tpu.memory_space<smem>>
    memref.store %max3A_302, %arg7[%swap3A_321] : memref<8xf32, #tpu.memory_space<smem>>
    %slice3A_323 = vector.extract_strided_slice %get3A_10 {offsets = [0, 6], sizes = [1153, 1], strides = [1, 1]} : vector<1153x8xf32> to vector<1153x1xf32>
    %add3A_324 = vector.broadcast %slice3A_323 : vector<1153x1xf32> to vector<1153x1024xf32>
    %add3A_325 = arith.addf %dot_general3A_7, %add3A_324 : vector<1153x1024xf32>
    %tanh3A_326 = math.tanh %add3A_325 : vector<1153x1024xf32>
    %dot_general3A_327 = arith.constant dense<0.000000e+00> : vector<1x1024xf32>
    %dot_general3A_328 = tpu.matmul %get3A_13, %tanh3A_326, %dot_general3A_327 {dimension_numbers = #tpu.dot_dimension_numbers<[1], [0], [0], [1], [0, 0, 1, 1], [], []>, transpose_lhs_hint = false} : vector<1x1153xf32>, vector<1153x1024xf32>, vector<1x1024xf32> -> vector<1x1024xf32>
    %reduce_max3A_329 = vector.shape_cast %dot_general3A_328 : vector<1x1024xf32> to vector<1x1x1024xf32>
    %reduce_max3A_330 = arith.constant dense<0xFF800000> : vector<1xf32>
    %reduce_max3A_331 = vector.multi_reduction <maximumf>, %reduce_max3A_329, %reduce_max3A_330 [1, 2] : vector<1x1x1024xf32> to vector<1xf32>
    %reduce_max3A_332 = vector.shape_cast %reduce_max3A_331 : vector<1xf32> to vector<1x1x1xf32>
    %reduce_max3A_333 = vector.extract %reduce_max3A_332[0, 0, 0] : f32 from vector<1x1x1xf32>
    %eq3A_334 = vector.broadcast %reduce_max3A_333 : f32 to vector<1x1024xf32>
    %eq3A_335 = arith.cmpf oeq, %dot_general3A_328, %eq3A_334 : vector<1x1024xf32>
    %jit3A_336 = arith.constant 8192 : i32
    %broadcast_in_dim3A_337 = vector.broadcast %jit3A_336 : i32 to vector<1x1024xi32>
    %select_n3A_338 = arith.select %eq3A_335, %iota3A, %broadcast_in_dim3A_337 : vector<1x1024xi1>, vector<1x1024xi32>
    %reduce_min3A_339 = vector.shape_cast %select_n3A_338 : vector<1x1024xi32> to vector<1x1x1024xi32>
    %reduce_min3A_340 = arith.constant dense<2147483647> : vector<1xi32>
    %reduce_min3A_341 = vector.multi_reduction <minsi>, %reduce_min3A_339, %reduce_min3A_340 [1, 2] : vector<1x1x1024xi32> to vector<1xi32>
    %reduce_min3A_342 = vector.shape_cast %reduce_min3A_341 : vector<1xi32> to vector<1x1x1xi32>
    %reduce_min3A_343 = vector.extract %reduce_min3A_342[0, 0, 0] : i32 from vector<1x1x1xi32>
    %sub3A_344 = vector.broadcast %reduce_max3A_333 : f32 to vector<1x1024xf32>
    %sub3A_345 = arith.subf %dot_general3A_328, %sub3A_344 : vector<1x1024xf32>
    %exp3A_346 = math.exp %sub3A_345 : vector<1x1024xf32>
    %reduce_sum3A_347 = vector.shape_cast %exp3A_346 : vector<1x1024xf32> to vector<1x1x1024xf32>
    %reduce_sum3A_348 = arith.constant dense<0.000000e+00> : vector<1xf32>
    %reduce_sum3A_349 = vector.multi_reduction <add>, %reduce_sum3A_347, %reduce_sum3A_348 [1, 2] : vector<1x1x1024xf32> to vector<1xf32>
    %reduce_sum3A_350 = vector.shape_cast %reduce_sum3A_349 : vector<1xf32> to vector<1x1x1xf32>
    %reduce_sum3A_351 = vector.extract %reduce_sum3A_350[0, 0, 0] : f32 from vector<1x1x1xf32>
    %get3A_352 = arith.constant 6 : index
    %get3A_353 = memref.load %arg7[%get3A_352] : memref<8xf32, #tpu.memory_space<smem>>
    %get3A_354 = arith.constant 6 : index
    %get3A_355 = memref.load %arg8[%get3A_354] : memref<8xf32, #tpu.memory_space<smem>>
    %max3A_356 = arith.maximumf %get3A_353, %reduce_max3A_333 : f32
    %sub3A_357 = arith.subf %get3A_353, %max3A_356 : f32
    %exp3A_358 = math.exp %sub3A_357 : f32
    %mul3A_359 = arith.mulf %get3A_355, %exp3A_358 : f32
    %sub3A_360 = arith.subf %reduce_max3A_333, %max3A_356 : f32
    %exp3A_361 = math.exp %sub3A_360 : f32
    %mul3A_362 = arith.mulf %reduce_sum3A_351, %exp3A_361 : f32
    %add3A_363 = arith.addf %mul3A_359, %mul3A_362 : f32
    %swap3A_364 = arith.constant 6 : index
    %swap3A_365 = memref.load %arg8[%swap3A_364] : memref<8xf32, #tpu.memory_space<smem>>
    memref.store %add3A_363, %arg8[%swap3A_364] : memref<8xf32, #tpu.memory_space<smem>>
    %gt3A_366 = arith.cmpf ogt, %reduce_max3A_333, %get3A_353 : f32
    %mul3A_367 = arith.constant 1024 : i32
    %mul3A_368 = arith.muli %arg0, %mul3A_367 : i32
    %add3A_369 = arith.addi %mul3A_368, %reduce_min3A_343 : i32
    %get3A_370 = arith.constant 6 : index
    %get3A_371 = memref.load %arg9[%get3A_370] : memref<8xi32, #tpu.memory_space<smem>>
    %select_n3A_372 = arith.select %gt3A_366, %add3A_369, %get3A_371 : i32
    %swap3A_373 = arith.constant 6 : index
    %swap3A_374 = memref.load %arg9[%swap3A_373] : memref<8xi32, #tpu.memory_space<smem>>
    memref.store %select_n3A_372, %arg9[%swap3A_373] : memref<8xi32, #tpu.memory_space<smem>>
    %swap3A_375 = arith.constant 6 : index
    %swap3A_376 = memref.load %arg7[%swap3A_375] : memref<8xf32, #tpu.memory_space<smem>>
    memref.store %max3A_356, %arg7[%swap3A_375] : memref<8xf32, #tpu.memory_space<smem>>
    %slice3A_377 = vector.extract_strided_slice %get3A_10 {offsets = [0, 7], sizes = [1153, 1], strides = [1, 1]} : vector<1153x8xf32> to vector<1153x1xf32>
    %add3A_378 = vector.broadcast %slice3A_377 : vector<1153x1xf32> to vector<1153x1024xf32>
    %add3A_379 = arith.addf %dot_general3A_7, %add3A_378 : vector<1153x1024xf32>
    %tanh3A_380 = math.tanh %add3A_379 : vector<1153x1024xf32>
    %dot_general3A_381 = arith.constant dense<0.000000e+00> : vector<1x1024xf32>
    %dot_general3A_382 = tpu.matmul %get3A_13, %tanh3A_380, %dot_general3A_381 {dimension_numbers = #tpu.dot_dimension_numbers<[1], [0], [0], [1], [0, 0, 1, 1], [], []>, transpose_lhs_hint = false} : vector<1x1153xf32>, vector<1153x1024xf32>, vector<1x1024xf32> -> vector<1x1024xf32>
    %reduce_max3A_383 = vector.shape_cast %dot_general3A_382 : vector<1x1024xf32> to vector<1x1x1024xf32>
    %reduce_max3A_384 = arith.constant dense<0xFF800000> : vector<1xf32>
    %reduce_max3A_385 = vector.multi_reduction <maximumf>, %reduce_max3A_383, %reduce_max3A_384 [1, 2] : vector<1x1x1024xf32> to vector<1xf32>
    %reduce_max3A_386 = vector.shape_cast %reduce_max3A_385 : vector<1xf32> to vector<1x1x1xf32>
    %reduce_max3A_387 = vector.extract %reduce_max3A_386[0, 0, 0] : f32 from vector<1x1x1xf32>
    %eq3A_388 = vector.broadcast %reduce_max3A_387 : f32 to vector<1x1024xf32>
    %eq3A_389 = arith.cmpf oeq, %dot_general3A_382, %eq3A_388 : vector<1x1024xf32>
    %jit3A_390 = arith.constant 8192 : i32
    %broadcast_in_dim3A_391 = vector.broadcast %jit3A_390 : i32 to vector<1x1024xi32>
    %select_n3A_392 = arith.select %eq3A_389, %iota3A, %broadcast_in_dim3A_391 : vector<1x1024xi1>, vector<1x1024xi32>
    %reduce_min3A_393 = vector.shape_cast %select_n3A_392 : vector<1x1024xi32> to vector<1x1x1024xi32>
    %reduce_min3A_394 = arith.constant dense<2147483647> : vector<1xi32>
    %reduce_min3A_395 = vector.multi_reduction <minsi>, %reduce_min3A_393, %reduce_min3A_394 [1, 2] : vector<1x1x1024xi32> to vector<1xi32>
    %reduce_min3A_396 = vector.shape_cast %reduce_min3A_395 : vector<1xi32> to vector<1x1x1xi32>
    %reduce_min3A_397 = vector.extract %reduce_min3A_396[0, 0, 0] : i32 from vector<1x1x1xi32>
    %sub3A_398 = vector.broadcast %reduce_max3A_387 : f32 to vector<1x1024xf32>
    %sub3A_399 = arith.subf %dot_general3A_382, %sub3A_398 : vector<1x1024xf32>
    %exp3A_400 = math.exp %sub3A_399 : vector<1x1024xf32>
    %reduce_sum3A_401 = vector.shape_cast %exp3A_400 : vector<1x1024xf32> to vector<1x1x1024xf32>
    %reduce_sum3A_402 = arith.constant dense<0.000000e+00> : vector<1xf32>
    %reduce_sum3A_403 = vector.multi_reduction <add>, %reduce_sum3A_401, %reduce_sum3A_402 [1, 2] : vector<1x1x1024xf32> to vector<1xf32>
    %reduce_sum3A_404 = vector.shape_cast %reduce_sum3A_403 : vector<1xf32> to vector<1x1x1xf32>
    %reduce_sum3A_405 = vector.extract %reduce_sum3A_404[0, 0, 0] : f32 from vector<1x1x1xf32>
    %get3A_406 = arith.constant 7 : index
    %get3A_407 = memref.load %arg7[%get3A_406] : memref<8xf32, #tpu.memory_space<smem>>
    %get3A_408 = arith.constant 7 : index
    %get3A_409 = memref.load %arg8[%get3A_408] : memref<8xf32, #tpu.memory_space<smem>>
    %max3A_410 = arith.maximumf %get3A_407, %reduce_max3A_387 : f32
    %sub3A_411 = arith.subf %get3A_407, %max3A_410 : f32
    %exp3A_412 = math.exp %sub3A_411 : f32
    %mul3A_413 = arith.mulf %get3A_409, %exp3A_412 : f32
    %sub3A_414 = arith.subf %reduce_max3A_387, %max3A_410 : f32
    %exp3A_415 = math.exp %sub3A_414 : f32
    %mul3A_416 = arith.mulf %reduce_sum3A_405, %exp3A_415 : f32
    %add3A_417 = arith.addf %mul3A_413, %mul3A_416 : f32
    %swap3A_418 = arith.constant 7 : index
    %swap3A_419 = memref.load %arg8[%swap3A_418] : memref<8xf32, #tpu.memory_space<smem>>
    memref.store %add3A_417, %arg8[%swap3A_418] : memref<8xf32, #tpu.memory_space<smem>>
    %gt3A_420 = arith.cmpf ogt, %reduce_max3A_387, %get3A_407 : f32
    %mul3A_421 = arith.constant 1024 : i32
    %mul3A_422 = arith.muli %arg0, %mul3A_421 : i32
    %add3A_423 = arith.addi %mul3A_422, %reduce_min3A_397 : i32
    %get3A_424 = arith.constant 7 : index
    %get3A_425 = memref.load %arg9[%get3A_424] : memref<8xi32, #tpu.memory_space<smem>>
    %select_n3A_426 = arith.select %gt3A_420, %add3A_423, %get3A_425 : i32
    %swap3A_427 = arith.constant 7 : index
    %swap3A_428 = memref.load %arg9[%swap3A_427] : memref<8xi32, #tpu.memory_space<smem>>
    memref.store %select_n3A_426, %arg9[%swap3A_427] : memref<8xi32, #tpu.memory_space<smem>>
    %swap3A_429 = arith.constant 7 : index
    %swap3A_430 = memref.load %arg7[%swap3A_429] : memref<8xf32, #tpu.memory_space<smem>>
    memref.store %max3A_410, %arg7[%swap3A_429] : memref<8xf32, #tpu.memory_space<smem>>
    %eq3A_431 = arith.constant 7 : i32
    %eq3A_432 = arith.cmpi eq, %arg0, %eq3A_431 : i32
    %convert_element_type3A_433 = arith.extui %eq3A_432 : i1 to i32
    %cond3A_434 = arith.constant 0 : i32
    %cond3A_435 = arith.cmpi ne, %convert_element_type3A_433, %cond3A_434 : i32
    scf.if %cond3A_435 {
      %get3A_436 = arith.constant 0 : index
      %get3A_437 = arith.constant 0 : index
      %get3A_438 = memref.load %arg4[%get3A_436, %get3A_437] : memref<1x1xf32, #tpu.memory_space<smem>>
      %iota3A_439 = tpu.iota {dimensions = array<i32: 1>} : vector<1x16xi32>
      %broadcast_in_dim3A_440 = arith.constant 0 : i32
      %broadcast_in_dim3A_441 = vector.broadcast %broadcast_in_dim3A_440 : i32 to vector<1x16xi32>
      %get3A_442 = arith.constant 0 : index
      %get3A_443 = memref.load %arg8[%get3A_442] : memref<8xf32, #tpu.memory_space<smem>>
      %div3A = arith.constant 1.000000e+00 : f32
      %div3A_444 = arith.divf %div3A, %get3A_443 : f32
      %gt3A_445 = arith.cmpf ogt, %div3A_444, %get3A_438 : f32
      %eq3A_446 = arith.constant 0 : i32
      %eq3A_447 = vector.broadcast %eq3A_446 : i32 to vector<1x16xi32>
      %eq3A_448 = arith.cmpi eq, %iota3A_439, %eq3A_447 : vector<1x16xi32>
      %get3A_449 = arith.constant 0 : index
      %get3A_450 = memref.load %arg9[%get3A_449] : memref<8xi32, #tpu.memory_space<smem>>
      %jit3A_451 = arith.constant 0 : i32
      %broadcast_in_dim3A_452 = vector.broadcast %get3A_450 : i32 to vector<1x16xi32>
      %broadcast_in_dim3A_453 = vector.broadcast %jit3A_451 : i32 to vector<1x16xi32>
      %select_n3A_454 = arith.select %eq3A_448, %broadcast_in_dim3A_452, %broadcast_in_dim3A_453 : vector<1x16xi1>, vector<1x16xi32>
      %add3A_455 = arith.addi %broadcast_in_dim3A_441, %select_n3A_454 : vector<1x16xi32>
      %eq3A_456 = arith.constant 8 : i32
      %eq3A_457 = vector.broadcast %eq3A_456 : i32 to vector<1x16xi32>
      %eq3A_458 = arith.cmpi eq, %iota3A_439, %eq3A_457 : vector<1x16xi32>
      %and3A = vector.broadcast %gt3A_445 : i1 to vector<1x16xi1>
      %and3A_459 = arith.andi %eq3A_458, %and3A : vector<1x16xi1>
      %jit3A_460 = arith.constant 1 : i32
      %jit3A_461 = arith.constant 0 : i32
      %broadcast_in_dim3A_462 = vector.broadcast %jit3A_460 : i32 to vector<1x16xi32>
      %broadcast_in_dim3A_463 = vector.broadcast %jit3A_461 : i32 to vector<1x16xi32>
      %select_n3A_464 = arith.select %and3A_459, %broadcast_in_dim3A_462, %broadcast_in_dim3A_463 : vector<1x16xi1>, vector<1x16xi32>
      %add3A_465 = arith.addi %add3A_455, %select_n3A_464 : vector<1x16xi32>
      %get3A_466 = arith.constant 1 : index
      %get3A_467 = memref.load %arg8[%get3A_466] : memref<8xf32, #tpu.memory_space<smem>>
      %div3A_468 = arith.constant 1.000000e+00 : f32
      %div3A_469 = arith.divf %div3A_468, %get3A_467 : f32
      %gt3A_470 = arith.cmpf ogt, %div3A_469, %get3A_438 : f32
      %eq3A_471 = arith.constant 1 : i32
      %eq3A_472 = vector.broadcast %eq3A_471 : i32 to vector<1x16xi32>
      %eq3A_473 = arith.cmpi eq, %iota3A_439, %eq3A_472 : vector<1x16xi32>
      %get3A_474 = arith.constant 1 : index
      %get3A_475 = memref.load %arg9[%get3A_474] : memref<8xi32, #tpu.memory_space<smem>>
      %jit3A_476 = arith.constant 0 : i32
      %broadcast_in_dim3A_477 = vector.broadcast %get3A_475 : i32 to vector<1x16xi32>
      %broadcast_in_dim3A_478 = vector.broadcast %jit3A_476 : i32 to vector<1x16xi32>
      %select_n3A_479 = arith.select %eq3A_473, %broadcast_in_dim3A_477, %broadcast_in_dim3A_478 : vector<1x16xi1>, vector<1x16xi32>
      %add3A_480 = arith.addi %add3A_465, %select_n3A_479 : vector<1x16xi32>
      %eq3A_481 = arith.constant 9 : i32
      %eq3A_482 = vector.broadcast %eq3A_481 : i32 to vector<1x16xi32>
      %eq3A_483 = arith.cmpi eq, %iota3A_439, %eq3A_482 : vector<1x16xi32>
      %and3A_484 = vector.broadcast %gt3A_470 : i1 to vector<1x16xi1>
      %and3A_485 = arith.andi %eq3A_483, %and3A_484 : vector<1x16xi1>
      %jit3A_486 = arith.constant 1 : i32
      %jit3A_487 = arith.constant 0 : i32
      %broadcast_in_dim3A_488 = vector.broadcast %jit3A_486 : i32 to vector<1x16xi32>
      %broadcast_in_dim3A_489 = vector.broadcast %jit3A_487 : i32 to vector<1x16xi32>
      %select_n3A_490 = arith.select %and3A_485, %broadcast_in_dim3A_488, %broadcast_in_dim3A_489 : vector<1x16xi1>, vector<1x16xi32>
      %add3A_491 = arith.addi %add3A_480, %select_n3A_490 : vector<1x16xi32>
      %get3A_492 = arith.constant 2 : index
      %get3A_493 = memref.load %arg8[%get3A_492] : memref<8xf32, #tpu.memory_space<smem>>
      %div3A_494 = arith.constant 1.000000e+00 : f32
      %div3A_495 = arith.divf %div3A_494, %get3A_493 : f32
      %gt3A_496 = arith.cmpf ogt, %div3A_495, %get3A_438 : f32
      %eq3A_497 = arith.constant 2 : i32
      %eq3A_498 = vector.broadcast %eq3A_497 : i32 to vector<1x16xi32>
      %eq3A_499 = arith.cmpi eq, %iota3A_439, %eq3A_498 : vector<1x16xi32>
      %get3A_500 = arith.constant 2 : index
      %get3A_501 = memref.load %arg9[%get3A_500] : memref<8xi32, #tpu.memory_space<smem>>
      %jit3A_502 = arith.constant 0 : i32
      %broadcast_in_dim3A_503 = vector.broadcast %get3A_501 : i32 to vector<1x16xi32>
      %broadcast_in_dim3A_504 = vector.broadcast %jit3A_502 : i32 to vector<1x16xi32>
      %select_n3A_505 = arith.select %eq3A_499, %broadcast_in_dim3A_503, %broadcast_in_dim3A_504 : vector<1x16xi1>, vector<1x16xi32>
      %add3A_506 = arith.addi %add3A_491, %select_n3A_505 : vector<1x16xi32>
      %eq3A_507 = arith.constant 10 : i32
      %eq3A_508 = vector.broadcast %eq3A_507 : i32 to vector<1x16xi32>
      %eq3A_509 = arith.cmpi eq, %iota3A_439, %eq3A_508 : vector<1x16xi32>
      %and3A_510 = vector.broadcast %gt3A_496 : i1 to vector<1x16xi1>
      %and3A_511 = arith.andi %eq3A_509, %and3A_510 : vector<1x16xi1>
      %jit3A_512 = arith.constant 1 : i32
      %jit3A_513 = arith.constant 0 : i32
      %broadcast_in_dim3A_514 = vector.broadcast %jit3A_512 : i32 to vector<1x16xi32>
      %broadcast_in_dim3A_515 = vector.broadcast %jit3A_513 : i32 to vector<1x16xi32>
      %select_n3A_516 = arith.select %and3A_511, %broadcast_in_dim3A_514, %broadcast_in_dim3A_515 : vector<1x16xi1>, vector<1x16xi32>
      %add3A_517 = arith.addi %add3A_506, %select_n3A_516 : vector<1x16xi32>
      %get3A_518 = arith.constant 3 : index
      %get3A_519 = memref.load %arg8[%get3A_518] : memref<8xf32, #tpu.memory_space<smem>>
      %div3A_520 = arith.constant 1.000000e+00 : f32
      %div3A_521 = arith.divf %div3A_520, %get3A_519 : f32
      %gt3A_522 = arith.cmpf ogt, %div3A_521, %get3A_438 : f32
      %eq3A_523 = arith.constant 3 : i32
      %eq3A_524 = vector.broadcast %eq3A_523 : i32 to vector<1x16xi32>
      %eq3A_525 = arith.cmpi eq, %iota3A_439, %eq3A_524 : vector<1x16xi32>
      %get3A_526 = arith.constant 3 : index
      %get3A_527 = memref.load %arg9[%get3A_526] : memref<8xi32, #tpu.memory_space<smem>>
      %jit3A_528 = arith.constant 0 : i32
      %broadcast_in_dim3A_529 = vector.broadcast %get3A_527 : i32 to vector<1x16xi32>
      %broadcast_in_dim3A_530 = vector.broadcast %jit3A_528 : i32 to vector<1x16xi32>
      %select_n3A_531 = arith.select %eq3A_525, %broadcast_in_dim3A_529, %broadcast_in_dim3A_530 : vector<1x16xi1>, vector<1x16xi32>
      %add3A_532 = arith.addi %add3A_517, %select_n3A_531 : vector<1x16xi32>
      %eq3A_533 = arith.constant 11 : i32
      %eq3A_534 = vector.broadcast %eq3A_533 : i32 to vector<1x16xi32>
      %eq3A_535 = arith.cmpi eq, %iota3A_439, %eq3A_534 : vector<1x16xi32>
      %and3A_536 = vector.broadcast %gt3A_522 : i1 to vector<1x16xi1>
      %and3A_537 = arith.andi %eq3A_535, %and3A_536 : vector<1x16xi1>
      %jit3A_538 = arith.constant 1 : i32
      %jit3A_539 = arith.constant 0 : i32
      %broadcast_in_dim3A_540 = vector.broadcast %jit3A_538 : i32 to vector<1x16xi32>
      %broadcast_in_dim3A_541 = vector.broadcast %jit3A_539 : i32 to vector<1x16xi32>
      %select_n3A_542 = arith.select %and3A_537, %broadcast_in_dim3A_540, %broadcast_in_dim3A_541 : vector<1x16xi1>, vector<1x16xi32>
      %add3A_543 = arith.addi %add3A_532, %select_n3A_542 : vector<1x16xi32>
      %get3A_544 = arith.constant 4 : index
      %get3A_545 = memref.load %arg8[%get3A_544] : memref<8xf32, #tpu.memory_space<smem>>
      %div3A_546 = arith.constant 1.000000e+00 : f32
      %div3A_547 = arith.divf %div3A_546, %get3A_545 : f32
      %gt3A_548 = arith.cmpf ogt, %div3A_547, %get3A_438 : f32
      %eq3A_549 = arith.constant 4 : i32
      %eq3A_550 = vector.broadcast %eq3A_549 : i32 to vector<1x16xi32>
      %eq3A_551 = arith.cmpi eq, %iota3A_439, %eq3A_550 : vector<1x16xi32>
      %get3A_552 = arith.constant 4 : index
      %get3A_553 = memref.load %arg9[%get3A_552] : memref<8xi32, #tpu.memory_space<smem>>
      %jit3A_554 = arith.constant 0 : i32
      %broadcast_in_dim3A_555 = vector.broadcast %get3A_553 : i32 to vector<1x16xi32>
      %broadcast_in_dim3A_556 = vector.broadcast %jit3A_554 : i32 to vector<1x16xi32>
      %select_n3A_557 = arith.select %eq3A_551, %broadcast_in_dim3A_555, %broadcast_in_dim3A_556 : vector<1x16xi1>, vector<1x16xi32>
      %add3A_558 = arith.addi %add3A_543, %select_n3A_557 : vector<1x16xi32>
      %eq3A_559 = arith.constant 12 : i32
      %eq3A_560 = vector.broadcast %eq3A_559 : i32 to vector<1x16xi32>
      %eq3A_561 = arith.cmpi eq, %iota3A_439, %eq3A_560 : vector<1x16xi32>
      %and3A_562 = vector.broadcast %gt3A_548 : i1 to vector<1x16xi1>
      %and3A_563 = arith.andi %eq3A_561, %and3A_562 : vector<1x16xi1>
      %jit3A_564 = arith.constant 1 : i32
      %jit3A_565 = arith.constant 0 : i32
      %broadcast_in_dim3A_566 = vector.broadcast %jit3A_564 : i32 to vector<1x16xi32>
      %broadcast_in_dim3A_567 = vector.broadcast %jit3A_565 : i32 to vector<1x16xi32>
      %select_n3A_568 = arith.select %and3A_563, %broadcast_in_dim3A_566, %broadcast_in_dim3A_567 : vector<1x16xi1>, vector<1x16xi32>
      %add3A_569 = arith.addi %add3A_558, %select_n3A_568 : vector<1x16xi32>
      %get3A_570 = arith.constant 5 : index
      %get3A_571 = memref.load %arg8[%get3A_570] : memref<8xf32, #tpu.memory_space<smem>>
      %div3A_572 = arith.constant 1.000000e+00 : f32
      %div3A_573 = arith.divf %div3A_572, %get3A_571 : f32
      %gt3A_574 = arith.cmpf ogt, %div3A_573, %get3A_438 : f32
      %eq3A_575 = arith.constant 5 : i32
      %eq3A_576 = vector.broadcast %eq3A_575 : i32 to vector<1x16xi32>
      %eq3A_577 = arith.cmpi eq, %iota3A_439, %eq3A_576 : vector<1x16xi32>
      %get3A_578 = arith.constant 5 : index
      %get3A_579 = memref.load %arg9[%get3A_578] : memref<8xi32, #tpu.memory_space<smem>>
      %jit3A_580 = arith.constant 0 : i32
      %broadcast_in_dim3A_581 = vector.broadcast %get3A_579 : i32 to vector<1x16xi32>
      %broadcast_in_dim3A_582 = vector.broadcast %jit3A_580 : i32 to vector<1x16xi32>
      %select_n3A_583 = arith.select %eq3A_577, %broadcast_in_dim3A_581, %broadcast_in_dim3A_582 : vector<1x16xi1>, vector<1x16xi32>
      %add3A_584 = arith.addi %add3A_569, %select_n3A_583 : vector<1x16xi32>
      %eq3A_585 = arith.constant 13 : i32
      %eq3A_586 = vector.broadcast %eq3A_585 : i32 to vector<1x16xi32>
      %eq3A_587 = arith.cmpi eq, %iota3A_439, %eq3A_586 : vector<1x16xi32>
      %and3A_588 = vector.broadcast %gt3A_574 : i1 to vector<1x16xi1>
      %and3A_589 = arith.andi %eq3A_587, %and3A_588 : vector<1x16xi1>
      %jit3A_590 = arith.constant 1 : i32
      %jit3A_591 = arith.constant 0 : i32
      %broadcast_in_dim3A_592 = vector.broadcast %jit3A_590 : i32 to vector<1x16xi32>
      %broadcast_in_dim3A_593 = vector.broadcast %jit3A_591 : i32 to vector<1x16xi32>
      %select_n3A_594 = arith.select %and3A_589, %broadcast_in_dim3A_592, %broadcast_in_dim3A_593 : vector<1x16xi1>, vector<1x16xi32>
      %add3A_595 = arith.addi %add3A_584, %select_n3A_594 : vector<1x16xi32>
      %get3A_596 = arith.constant 6 : index
      %get3A_597 = memref.load %arg8[%get3A_596] : memref<8xf32, #tpu.memory_space<smem>>
      %div3A_598 = arith.constant 1.000000e+00 : f32
      %div3A_599 = arith.divf %div3A_598, %get3A_597 : f32
      %gt3A_600 = arith.cmpf ogt, %div3A_599, %get3A_438 : f32
      %eq3A_601 = arith.constant 6 : i32
      %eq3A_602 = vector.broadcast %eq3A_601 : i32 to vector<1x16xi32>
      %eq3A_603 = arith.cmpi eq, %iota3A_439, %eq3A_602 : vector<1x16xi32>
      %get3A_604 = arith.constant 6 : index
      %get3A_605 = memref.load %arg9[%get3A_604] : memref<8xi32, #tpu.memory_space<smem>>
      %jit3A_606 = arith.constant 0 : i32
      %broadcast_in_dim3A_607 = vector.broadcast %get3A_605 : i32 to vector<1x16xi32>
      %broadcast_in_dim3A_608 = vector.broadcast %jit3A_606 : i32 to vector<1x16xi32>
      %select_n3A_609 = arith.select %eq3A_603, %broadcast_in_dim3A_607, %broadcast_in_dim3A_608 : vector<1x16xi1>, vector<1x16xi32>
      %add3A_610 = arith.addi %add3A_595, %select_n3A_609 : vector<1x16xi32>
      %eq3A_611 = arith.constant 14 : i32
      %eq3A_612 = vector.broadcast %eq3A_611 : i32 to vector<1x16xi32>
      %eq3A_613 = arith.cmpi eq, %iota3A_439, %eq3A_612 : vector<1x16xi32>
      %and3A_614 = vector.broadcast %gt3A_600 : i1 to vector<1x16xi1>
      %and3A_615 = arith.andi %eq3A_613, %and3A_614 : vector<1x16xi1>
      %jit3A_616 = arith.constant 1 : i32
      %jit3A_617 = arith.constant 0 : i32
      %broadcast_in_dim3A_618 = vector.broadcast %jit3A_616 : i32 to vector<1x16xi32>
      %broadcast_in_dim3A_619 = vector.broadcast %jit3A_617 : i32 to vector<1x16xi32>
      %select_n3A_620 = arith.select %and3A_615, %broadcast_in_dim3A_618, %broadcast_in_dim3A_619 : vector<1x16xi1>, vector<1x16xi32>
      %add3A_621 = arith.addi %add3A_610, %select_n3A_620 : vector<1x16xi32>
      %get3A_622 = arith.constant 7 : index
      %get3A_623 = memref.load %arg8[%get3A_622] : memref<8xf32, #tpu.memory_space<smem>>
      %div3A_624 = arith.constant 1.000000e+00 : f32
      %div3A_625 = arith.divf %div3A_624, %get3A_623 : f32
      %gt3A_626 = arith.cmpf ogt, %div3A_625, %get3A_438 : f32
      %eq3A_627 = arith.constant 7 : i32
      %eq3A_628 = vector.broadcast %eq3A_627 : i32 to vector<1x16xi32>
      %eq3A_629 = arith.cmpi eq, %iota3A_439, %eq3A_628 : vector<1x16xi32>
      %get3A_630 = arith.constant 7 : index
      %get3A_631 = memref.load %arg9[%get3A_630] : memref<8xi32, #tpu.memory_space<smem>>
      %jit3A_632 = arith.constant 0 : i32
      %broadcast_in_dim3A_633 = vector.broadcast %get3A_631 : i32 to vector<1x16xi32>
      %broadcast_in_dim3A_634 = vector.broadcast %jit3A_632 : i32 to vector<1x16xi32>
      %select_n3A_635 = arith.select %eq3A_629, %broadcast_in_dim3A_633, %broadcast_in_dim3A_634 : vector<1x16xi1>, vector<1x16xi32>
      %add3A_636 = arith.addi %add3A_621, %select_n3A_635 : vector<1x16xi32>
      %eq3A_637 = arith.constant 15 : i32
      %eq3A_638 = vector.broadcast %eq3A_637 : i32 to vector<1x16xi32>
      %eq3A_639 = arith.cmpi eq, %iota3A_439, %eq3A_638 : vector<1x16xi32>
      %and3A_640 = vector.broadcast %gt3A_626 : i1 to vector<1x16xi1>
      %and3A_641 = arith.andi %eq3A_639, %and3A_640 : vector<1x16xi1>
      %jit3A_642 = arith.constant 1 : i32
      %jit3A_643 = arith.constant 0 : i32
      %broadcast_in_dim3A_644 = vector.broadcast %jit3A_642 : i32 to vector<1x16xi32>
      %broadcast_in_dim3A_645 = vector.broadcast %jit3A_643 : i32 to vector<1x16xi32>
      %select_n3A_646 = arith.select %and3A_641, %broadcast_in_dim3A_644, %broadcast_in_dim3A_645 : vector<1x16xi1>, vector<1x16xi32>
      %add3A_647 = arith.addi %add3A_636, %select_n3A_646 : vector<1x16xi32>
      %swap3A_648 = arith.constant 0 : index
      %swap3A_649 = arith.constant 0 : index
      %swap3A_650 = vector.load %arg6[%swap3A_648, %swap3A_649] : memref<1x16xi32, #tpu.memory_space<vmem>>, vector<1x16xi32>
      tpu.vector_store %arg6[%swap3A_648, %swap3A_649], %add3A_647 {strides = array<i32>} : memref<1x16xi32, #tpu.memory_space<vmem>>, vector<1x16xi32>,
    } else {
    }
    return
  }
  func.func @transform_0(%arg0: i32) -> (i32, i32) {
    %c0_i32 = arith.constant 0 : i32
    %c0_i32_0 = arith.constant 0 : i32
    return %c0_i32, %arg0 : i32, i32
  }
  func.func @transform_1(%arg0: i32) -> (i32, i32) {
    %c0_i32 = arith.constant 0 : i32
    %c0_i32_0 = arith.constant 0 : i32
    %c0_i32_1 = arith.constant 0 : i32
    return %c0_i32, %c0_i32_0 : i32, i32
  }
  func.func @transform_2(%arg0: i32) -> (i32, i32) {
    %c0_i32 = arith.constant 0 : i32
    %c0_i32_0 = arith.constant 0 : i32
    %c0_i32_1 = arith.constant 0 : i32
    return %c0_i32, %c0_i32_0 : i32, i32
  }
  func.func @transform_3(%arg0: i32) -> (i32, i32) {
    %c0_i32 = arith.constant 0 : i32
    %c0_i32_0 = arith.constant 0 : i32
    %c0_i32_1 = arith.constant 0 : i32
    return %c0_i32, %c0_i32_0 : i32, i32
  }
  func.func @transform_4(%arg0: i32) -> (i32, i32) {
    %c0_i32 = arith.constant 0 : i32
    %c0_i32_0 = arith.constant 0 : i32
    %c0_i32_1 = arith.constant 0 : i32
    return %c0_i32, %c0_i32_0 : i32, i32
  }
  func.func @transform_5(%arg0: i32) -> (i32, i32) {
    %c0_i32 = arith.constant 0 : i32
    %c0_i32_0 = arith.constant 0 : i32
    %c0_i32_1 = arith.constant 0 : i32
    return %c0_i32, %c0_i32_0 : i32, i32
  }
}

module attributes {stable_mosaic.version = 14 : i64} {
  func.func @_scatter_body(%arg0: i32, %arg1: memref<16xi32, #tpu.memory_space<smem>>, %arg2: memref<1153x8xf32, #tpu.memory_space<vmem>>, %arg3: memref<1153x128xf32, #tpu.memory_space<vmem>>, %arg4: memref<1153x128xf32, #tpu.memory_space<vmem>>) attributes {dimension_semantics = [#tpu.dimension_semantics<arbitrary>], iteration_bounds = array<i64: 8>, scalar_prefetch = 1 : i64, scratch_operands = 0 : i64, tpu.core_type = #tpu.core_type<tc>, window_params = [{pipeline_mode = #tpu.pipeline_mode<synchronous>, transform_indices = @transform_0, window_bounds = array<i64: 1153, 8>}, {transform_indices = @transform_1, window_bounds = array<i64: 1153, 128>}, {transform_indices = @transform_2, window_bounds = array<i64: 1153, 128>}]} {
    %get3A = arith.index_cast %arg0 : i32 to index
    %get3A_0 = memref.load %arg1[%get3A] : memref<16xi32, #tpu.memory_space<smem>>
    %jit3A = arith.constant 128 : i32
    %div3A = arith.divsi %get3A_0, %jit3A : i32
    %sign3A = arith.constant 0 : i32
    %sign3A_1 = arith.cmpi sgt, %get3A_0, %sign3A : i32
    %sign3A_2 = arith.extui %sign3A_1 : i1 to i32
    %sign3A_3 = arith.constant 0 : i32
    %sign3A_4 = arith.cmpi slt, %get3A_0, %sign3A_3 : i32
    %sign3A_5 = arith.extui %sign3A_4 : i1 to i32
    %sign3A_6 = arith.subi %sign3A_2, %sign3A_5 : i32
    %sign3A_7 = arith.constant 0 : i32
    %sign3A_8 = arith.cmpi sgt, %jit3A, %sign3A_7 : i32
    %sign3A_9 = arith.extui %sign3A_8 : i1 to i32
    %sign3A_10 = arith.constant 0 : i32
    %sign3A_11 = arith.cmpi slt, %jit3A, %sign3A_10 : i32
    %sign3A_12 = arith.extui %sign3A_11 : i1 to i32
    %sign3A_13 = arith.subi %sign3A_9, %sign3A_12 : i32
    %ne3A = arith.cmpi ne, %sign3A_6, %sign3A_13 : i32
    %rem3A = arith.remsi %get3A_0, %jit3A : i32
    %ne3A_14 = arith.constant 0 : i32
    %ne3A_15 = arith.cmpi ne, %rem3A, %ne3A_14 : i32
    %and3A = arith.andi %ne3A, %ne3A_15 : i1
    %sub3A = arith.constant 1 : i32
    %sub3A_16 = arith.subi %div3A, %sub3A : i32
    %select_n3A = arith.select %and3A, %sub3A_16, %div3A : i32
    %get3A_17 = arith.constant 0 : index
    %get3A_18 = arith.constant 0 : index
    %get3A_19 = vector.load %arg3[%get3A_17, %get3A_18] : memref<1153x128xf32, #tpu.memory_space<vmem>>, vector<1153x128xf32>
    %get3A_20 = arith.constant 0 : index
    %get3A_21 = arith.constant 0 : index
    %get3A_22 = vector.load %arg2[%get3A_20, %get3A_21] : memref<1153x8xf32, #tpu.memory_space<vmem>>, vector<1153x8xf32>
    %iota3A = tpu.iota {dimensions = array<i32: 1>} : vector<1153x128xi32>
    %get3A_23 = arith.constant 0 : index
    %get3A_24 = memref.load %arg1[%get3A_23] : memref<16xi32, #tpu.memory_space<smem>>
    %get3A_25 = arith.constant 8 : index
    %get3A_26 = memref.load %arg1[%get3A_25] : memref<16xi32, #tpu.memory_space<smem>>
    %gt3A = arith.constant 0 : i32
    %gt3A_27 = arith.cmpi sgt, %get3A_26, %gt3A : i32
    %jit3A_28 = arith.constant 128 : i32
    %div3A_29 = arith.divsi %get3A_24, %jit3A_28 : i32
    %sign3A_30 = arith.constant 0 : i32
    %sign3A_31 = arith.cmpi sgt, %get3A_24, %sign3A_30 : i32
    %sign3A_32 = arith.extui %sign3A_31 : i1 to i32
    %sign3A_33 = arith.constant 0 : i32
    %sign3A_34 = arith.cmpi slt, %get3A_24, %sign3A_33 : i32
    %sign3A_35 = arith.extui %sign3A_34 : i1 to i32
    %sign3A_36 = arith.subi %sign3A_32, %sign3A_35 : i32
    %sign3A_37 = arith.constant 0 : i32
    %sign3A_38 = arith.cmpi sgt, %jit3A_28, %sign3A_37 : i32
    %sign3A_39 = arith.extui %sign3A_38 : i1 to i32
    %sign3A_40 = arith.constant 0 : i32
    %sign3A_41 = arith.cmpi slt, %jit3A_28, %sign3A_40 : i32
    %sign3A_42 = arith.extui %sign3A_41 : i1 to i32
    %sign3A_43 = arith.subi %sign3A_39, %sign3A_42 : i32
    %ne3A_44 = arith.cmpi ne, %sign3A_36, %sign3A_43 : i32
    %rem3A_45 = arith.remsi %get3A_24, %jit3A_28 : i32
    %ne3A_46 = arith.constant 0 : i32
    %ne3A_47 = arith.cmpi ne, %rem3A_45, %ne3A_46 : i32
    %and3A_48 = arith.andi %ne3A_44, %ne3A_47 : i1
    %sub3A_49 = arith.constant 1 : i32
    %sub3A_50 = arith.subi %div3A_29, %sub3A_49 : i32
    %select_n3A_51 = arith.select %and3A_48, %sub3A_50, %div3A_29 : i32
    %eq3A = arith.cmpi eq, %select_n3A_51, %select_n3A : i32
    %and3A_52 = arith.andi %gt3A_27, %eq3A : i1
    %jit3A_53 = arith.constant 128 : i32
    %div3A_54 = arith.divsi %get3A_24, %jit3A_53 : i32
    %sign3A_55 = arith.constant 0 : i32
    %sign3A_56 = arith.cmpi sgt, %get3A_24, %sign3A_55 : i32
    %sign3A_57 = arith.extui %sign3A_56 : i1 to i32
    %sign3A_58 = arith.constant 0 : i32
    %sign3A_59 = arith.cmpi slt, %get3A_24, %sign3A_58 : i32
    %sign3A_60 = arith.extui %sign3A_59 : i1 to i32
    %sign3A_61 = arith.subi %sign3A_57, %sign3A_60 : i32
    %sign3A_62 = arith.constant 0 : i32
    %sign3A_63 = arith.cmpi sgt, %jit3A_53, %sign3A_62 : i32
    %sign3A_64 = arith.extui %sign3A_63 : i1 to i32
    %sign3A_65 = arith.constant 0 : i32
    %sign3A_66 = arith.cmpi slt, %jit3A_53, %sign3A_65 : i32
    %sign3A_67 = arith.extui %sign3A_66 : i1 to i32
    %sign3A_68 = arith.subi %sign3A_64, %sign3A_67 : i32
    %ne3A_69 = arith.cmpi ne, %sign3A_61, %sign3A_68 : i32
    %rem3A_70 = arith.remsi %get3A_24, %jit3A_53 : i32
    %ne3A_71 = arith.constant 0 : i32
    %ne3A_72 = arith.cmpi ne, %rem3A_70, %ne3A_71 : i32
    %and3A_73 = arith.andi %ne3A_69, %ne3A_72 : i1
    %sub3A_74 = arith.constant 1 : i32
    %sub3A_75 = arith.subi %div3A_54, %sub3A_74 : i32
    %select_n3A_76 = arith.select %and3A_73, %sub3A_75, %div3A_54 : i32
    %mul3A = arith.constant 128 : i32
    %mul3A_77 = arith.muli %select_n3A_76, %mul3A : i32
    %sub3A_78 = arith.subi %get3A_24, %mul3A_77 : i32
    %eq3A_79 = vector.broadcast %sub3A_78 : i32 to vector<1153x128xi32>
    %eq3A_80 = arith.cmpi eq, %iota3A, %eq3A_79 : vector<1153x128xi32>
    %and3A_81 = vector.broadcast %and3A_52 : i1 to vector<1153x128xi1>
    %and3A_82 = arith.andi %and3A_81, %eq3A_80 : vector<1153x128xi1>
    %slice3A = vector.extract_strided_slice %get3A_22 {offsets = [0, 0], sizes = [1153, 1], strides = [1, 1]} : vector<1153x8xf32> to vector<1153x1xf32>
    %broadcast_in_dim3A = vector.shape_cast %slice3A : vector<1153x1xf32> to vector<1153x1xf32>
    %broadcast_in_dim3A_83 = vector.broadcast %broadcast_in_dim3A : vector<1153x1xf32> to vector<1153x128xf32>
    %select_n3A_84 = arith.select %and3A_82, %broadcast_in_dim3A_83, %get3A_19 : vector<1153x128xi1>, vector<1153x128xf32>
    %get3A_85 = arith.constant 1 : index
    %get3A_86 = memref.load %arg1[%get3A_85] : memref<16xi32, #tpu.memory_space<smem>>
    %get3A_87 = arith.constant 9 : index
    %get3A_88 = memref.load %arg1[%get3A_87] : memref<16xi32, #tpu.memory_space<smem>>
    %gt3A_89 = arith.constant 0 : i32
    %gt3A_90 = arith.cmpi sgt, %get3A_88, %gt3A_89 : i32
    %jit3A_91 = arith.constant 128 : i32
    %div3A_92 = arith.divsi %get3A_86, %jit3A_91 : i32
    %sign3A_93 = arith.constant 0 : i32
    %sign3A_94 = arith.cmpi sgt, %get3A_86, %sign3A_93 : i32
    %sign3A_95 = arith.extui %sign3A_94 : i1 to i32
    %sign3A_96 = arith.constant 0 : i32
    %sign3A_97 = arith.cmpi slt, %get3A_86, %sign3A_96 : i32
    %sign3A_98 = arith.extui %sign3A_97 : i1 to i32
    %sign3A_99 = arith.subi %sign3A_95, %sign3A_98 : i32
    %sign3A_100 = arith.constant 0 : i32
    %sign3A_101 = arith.cmpi sgt, %jit3A_91, %sign3A_100 : i32
    %sign3A_102 = arith.extui %sign3A_101 : i1 to i32
    %sign3A_103 = arith.constant 0 : i32
    %sign3A_104 = arith.cmpi slt, %jit3A_91, %sign3A_103 : i32
    %sign3A_105 = arith.extui %sign3A_104 : i1 to i32
    %sign3A_106 = arith.subi %sign3A_102, %sign3A_105 : i32
    %ne3A_107 = arith.cmpi ne, %sign3A_99, %sign3A_106 : i32
    %rem3A_108 = arith.remsi %get3A_86, %jit3A_91 : i32
    %ne3A_109 = arith.constant 0 : i32
    %ne3A_110 = arith.cmpi ne, %rem3A_108, %ne3A_109 : i32
    %and3A_111 = arith.andi %ne3A_107, %ne3A_110 : i1
    %sub3A_112 = arith.constant 1 : i32
    %sub3A_113 = arith.subi %div3A_92, %sub3A_112 : i32
    %select_n3A_114 = arith.select %and3A_111, %sub3A_113, %div3A_92 : i32
    %eq3A_115 = arith.cmpi eq, %select_n3A_114, %select_n3A : i32
    %and3A_116 = arith.andi %gt3A_90, %eq3A_115 : i1
    %jit3A_117 = arith.constant 128 : i32
    %div3A_118 = arith.divsi %get3A_86, %jit3A_117 : i32
    %sign3A_119 = arith.constant 0 : i32
    %sign3A_120 = arith.cmpi sgt, %get3A_86, %sign3A_119 : i32
    %sign3A_121 = arith.extui %sign3A_120 : i1 to i32
    %sign3A_122 = arith.constant 0 : i32
    %sign3A_123 = arith.cmpi slt, %get3A_86, %sign3A_122 : i32
    %sign3A_124 = arith.extui %sign3A_123 : i1 to i32
    %sign3A_125 = arith.subi %sign3A_121, %sign3A_124 : i32
    %sign3A_126 = arith.constant 0 : i32
    %sign3A_127 = arith.cmpi sgt, %jit3A_117, %sign3A_126 : i32
    %sign3A_128 = arith.extui %sign3A_127 : i1 to i32
    %sign3A_129 = arith.constant 0 : i32
    %sign3A_130 = arith.cmpi slt, %jit3A_117, %sign3A_129 : i32
    %sign3A_131 = arith.extui %sign3A_130 : i1 to i32
    %sign3A_132 = arith.subi %sign3A_128, %sign3A_131 : i32
    %ne3A_133 = arith.cmpi ne, %sign3A_125, %sign3A_132 : i32
    %rem3A_134 = arith.remsi %get3A_86, %jit3A_117 : i32
    %ne3A_135 = arith.constant 0 : i32
    %ne3A_136 = arith.cmpi ne, %rem3A_134, %ne3A_135 : i32
    %and3A_137 = arith.andi %ne3A_133, %ne3A_136 : i1
    %sub3A_138 = arith.constant 1 : i32
    %sub3A_139 = arith.subi %div3A_118, %sub3A_138 : i32
    %select_n3A_140 = arith.select %and3A_137, %sub3A_139, %div3A_118 : i32
    %mul3A_141 = arith.constant 128 : i32
    %mul3A_142 = arith.muli %select_n3A_140, %mul3A_141 : i32
    %sub3A_143 = arith.subi %get3A_86, %mul3A_142 : i32
    %eq3A_144 = vector.broadcast %sub3A_143 : i32 to vector<1153x128xi32>
    %eq3A_145 = arith.cmpi eq, %iota3A, %eq3A_144 : vector<1153x128xi32>
    %and3A_146 = vector.broadcast %and3A_116 : i1 to vector<1153x128xi1>
    %and3A_147 = arith.andi %and3A_146, %eq3A_145 : vector<1153x128xi1>
    %slice3A_148 = vector.extract_strided_slice %get3A_22 {offsets = [0, 1], sizes = [1153, 1], strides = [1, 1]} : vector<1153x8xf32> to vector<1153x1xf32>
    %broadcast_in_dim3A_149 = vector.shape_cast %slice3A_148 : vector<1153x1xf32> to vector<1153x1xf32>
    %broadcast_in_dim3A_150 = vector.broadcast %broadcast_in_dim3A_149 : vector<1153x1xf32> to vector<1153x128xf32>
    %select_n3A_151 = arith.select %and3A_147, %broadcast_in_dim3A_150, %select_n3A_84 : vector<1153x128xi1>, vector<1153x128xf32>
    %get3A_152 = arith.constant 2 : index
    %get3A_153 = memref.load %arg1[%get3A_152] : memref<16xi32, #tpu.memory_space<smem>>
    %get3A_154 = arith.constant 10 : index
    %get3A_155 = memref.load %arg1[%get3A_154] : memref<16xi32, #tpu.memory_space<smem>>
    %gt3A_156 = arith.constant 0 : i32
    %gt3A_157 = arith.cmpi sgt, %get3A_155, %gt3A_156 : i32
    %jit3A_158 = arith.constant 128 : i32
    %div3A_159 = arith.divsi %get3A_153, %jit3A_158 : i32
    %sign3A_160 = arith.constant 0 : i32
    %sign3A_161 = arith.cmpi sgt, %get3A_153, %sign3A_160 : i32
    %sign3A_162 = arith.extui %sign3A_161 : i1 to i32
    %sign3A_163 = arith.constant 0 : i32
    %sign3A_164 = arith.cmpi slt, %get3A_153, %sign3A_163 : i32
    %sign3A_165 = arith.extui %sign3A_164 : i1 to i32
    %sign3A_166 = arith.subi %sign3A_162, %sign3A_165 : i32
    %sign3A_167 = arith.constant 0 : i32
    %sign3A_168 = arith.cmpi sgt, %jit3A_158, %sign3A_167 : i32
    %sign3A_169 = arith.extui %sign3A_168 : i1 to i32
    %sign3A_170 = arith.constant 0 : i32
    %sign3A_171 = arith.cmpi slt, %jit3A_158, %sign3A_170 : i32
    %sign3A_172 = arith.extui %sign3A_171 : i1 to i32
    %sign3A_173 = arith.subi %sign3A_169, %sign3A_172 : i32
    %ne3A_174 = arith.cmpi ne, %sign3A_166, %sign3A_173 : i32
    %rem3A_175 = arith.remsi %get3A_153, %jit3A_158 : i32
    %ne3A_176 = arith.constant 0 : i32
    %ne3A_177 = arith.cmpi ne, %rem3A_175, %ne3A_176 : i32
    %and3A_178 = arith.andi %ne3A_174, %ne3A_177 : i1
    %sub3A_179 = arith.constant 1 : i32
    %sub3A_180 = arith.subi %div3A_159, %sub3A_179 : i32
    %select_n3A_181 = arith.select %and3A_178, %sub3A_180, %div3A_159 : i32
    %eq3A_182 = arith.cmpi eq, %select_n3A_181, %select_n3A : i32
    %and3A_183 = arith.andi %gt3A_157, %eq3A_182 : i1
    %jit3A_184 = arith.constant 128 : i32
    %div3A_185 = arith.divsi %get3A_153, %jit3A_184 : i32
    %sign3A_186 = arith.constant 0 : i32
    %sign3A_187 = arith.cmpi sgt, %get3A_153, %sign3A_186 : i32
    %sign3A_188 = arith.extui %sign3A_187 : i1 to i32
    %sign3A_189 = arith.constant 0 : i32
    %sign3A_190 = arith.cmpi slt, %get3A_153, %sign3A_189 : i32
    %sign3A_191 = arith.extui %sign3A_190 : i1 to i32
    %sign3A_192 = arith.subi %sign3A_188, %sign3A_191 : i32
    %sign3A_193 = arith.constant 0 : i32
    %sign3A_194 = arith.cmpi sgt, %jit3A_184, %sign3A_193 : i32
    %sign3A_195 = arith.extui %sign3A_194 : i1 to i32
    %sign3A_196 = arith.constant 0 : i32
    %sign3A_197 = arith.cmpi slt, %jit3A_184, %sign3A_196 : i32
    %sign3A_198 = arith.extui %sign3A_197 : i1 to i32
    %sign3A_199 = arith.subi %sign3A_195, %sign3A_198 : i32
    %ne3A_200 = arith.cmpi ne, %sign3A_192, %sign3A_199 : i32
    %rem3A_201 = arith.remsi %get3A_153, %jit3A_184 : i32
    %ne3A_202 = arith.constant 0 : i32
    %ne3A_203 = arith.cmpi ne, %rem3A_201, %ne3A_202 : i32
    %and3A_204 = arith.andi %ne3A_200, %ne3A_203 : i1
    %sub3A_205 = arith.constant 1 : i32
    %sub3A_206 = arith.subi %div3A_185, %sub3A_205 : i32
    %select_n3A_207 = arith.select %and3A_204, %sub3A_206, %div3A_185 : i32
    %mul3A_208 = arith.constant 128 : i32
    %mul3A_209 = arith.muli %select_n3A_207, %mul3A_208 : i32
    %sub3A_210 = arith.subi %get3A_153, %mul3A_209 : i32
    %eq3A_211 = vector.broadcast %sub3A_210 : i32 to vector<1153x128xi32>
    %eq3A_212 = arith.cmpi eq, %iota3A, %eq3A_211 : vector<1153x128xi32>
    %and3A_213 = vector.broadcast %and3A_183 : i1 to vector<1153x128xi1>
    %and3A_214 = arith.andi %and3A_213, %eq3A_212 : vector<1153x128xi1>
    %slice3A_215 = vector.extract_strided_slice %get3A_22 {offsets = [0, 2], sizes = [1153, 1], strides = [1, 1]} : vector<1153x8xf32> to vector<1153x1xf32>
    %broadcast_in_dim3A_216 = vector.shape_cast %slice3A_215 : vector<1153x1xf32> to vector<1153x1xf32>
    %broadcast_in_dim3A_217 = vector.broadcast %broadcast_in_dim3A_216 : vector<1153x1xf32> to vector<1153x128xf32>
    %select_n3A_218 = arith.select %and3A_214, %broadcast_in_dim3A_217, %select_n3A_151 : vector<1153x128xi1>, vector<1153x128xf32>
    %get3A_219 = arith.constant 3 : index
    %get3A_220 = memref.load %arg1[%get3A_219] : memref<16xi32, #tpu.memory_space<smem>>
    %get3A_221 = arith.constant 11 : index
    %get3A_222 = memref.load %arg1[%get3A_221] : memref<16xi32, #tpu.memory_space<smem>>
    %gt3A_223 = arith.constant 0 : i32
    %gt3A_224 = arith.cmpi sgt, %get3A_222, %gt3A_223 : i32
    %jit3A_225 = arith.constant 128 : i32
    %div3A_226 = arith.divsi %get3A_220, %jit3A_225 : i32
    %sign3A_227 = arith.constant 0 : i32
    %sign3A_228 = arith.cmpi sgt, %get3A_220, %sign3A_227 : i32
    %sign3A_229 = arith.extui %sign3A_228 : i1 to i32
    %sign3A_230 = arith.constant 0 : i32
    %sign3A_231 = arith.cmpi slt, %get3A_220, %sign3A_230 : i32
    %sign3A_232 = arith.extui %sign3A_231 : i1 to i32
    %sign3A_233 = arith.subi %sign3A_229, %sign3A_232 : i32
    %sign3A_234 = arith.constant 0 : i32
    %sign3A_235 = arith.cmpi sgt, %jit3A_225, %sign3A_234 : i32
    %sign3A_236 = arith.extui %sign3A_235 : i1 to i32
    %sign3A_237 = arith.constant 0 : i32
    %sign3A_238 = arith.cmpi slt, %jit3A_225, %sign3A_237 : i32
    %sign3A_239 = arith.extui %sign3A_238 : i1 to i32
    %sign3A_240 = arith.subi %sign3A_236, %sign3A_239 : i32
    %ne3A_241 = arith.cmpi ne, %sign3A_233, %sign3A_240 : i32
    %rem3A_242 = arith.remsi %get3A_220, %jit3A_225 : i32
    %ne3A_243 = arith.constant 0 : i32
    %ne3A_244 = arith.cmpi ne, %rem3A_242, %ne3A_243 : i32
    %and3A_245 = arith.andi %ne3A_241, %ne3A_244 : i1
    %sub3A_246 = arith.constant 1 : i32
    %sub3A_247 = arith.subi %div3A_226, %sub3A_246 : i32
    %select_n3A_248 = arith.select %and3A_245, %sub3A_247, %div3A_226 : i32
    %eq3A_249 = arith.cmpi eq, %select_n3A_248, %select_n3A : i32
    %and3A_250 = arith.andi %gt3A_224, %eq3A_249 : i1
    %jit3A_251 = arith.constant 128 : i32
    %div3A_252 = arith.divsi %get3A_220, %jit3A_251 : i32
    %sign3A_253 = arith.constant 0 : i32
    %sign3A_254 = arith.cmpi sgt, %get3A_220, %sign3A_253 : i32
    %sign3A_255 = arith.extui %sign3A_254 : i1 to i32
    %sign3A_256 = arith.constant 0 : i32
    %sign3A_257 = arith.cmpi slt, %get3A_220, %sign3A_256 : i32
    %sign3A_258 = arith.extui %sign3A_257 : i1 to i32
    %sign3A_259 = arith.subi %sign3A_255, %sign3A_258 : i32
    %sign3A_260 = arith.constant 0 : i32
    %sign3A_261 = arith.cmpi sgt, %jit3A_251, %sign3A_260 : i32
    %sign3A_262 = arith.extui %sign3A_261 : i1 to i32
    %sign3A_263 = arith.constant 0 : i32
    %sign3A_264 = arith.cmpi slt, %jit3A_251, %sign3A_263 : i32
    %sign3A_265 = arith.extui %sign3A_264 : i1 to i32
    %sign3A_266 = arith.subi %sign3A_262, %sign3A_265 : i32
    %ne3A_267 = arith.cmpi ne, %sign3A_259, %sign3A_266 : i32
    %rem3A_268 = arith.remsi %get3A_220, %jit3A_251 : i32
    %ne3A_269 = arith.constant 0 : i32
    %ne3A_270 = arith.cmpi ne, %rem3A_268, %ne3A_269 : i32
    %and3A_271 = arith.andi %ne3A_267, %ne3A_270 : i1
    %sub3A_272 = arith.constant 1 : i32
    %sub3A_273 = arith.subi %div3A_252, %sub3A_272 : i32
    %select_n3A_274 = arith.select %and3A_271, %sub3A_273, %div3A_252 : i32
    %mul3A_275 = arith.constant 128 : i32
    %mul3A_276 = arith.muli %select_n3A_274, %mul3A_275 : i32
    %sub3A_277 = arith.subi %get3A_220, %mul3A_276 : i32
    %eq3A_278 = vector.broadcast %sub3A_277 : i32 to vector<1153x128xi32>
    %eq3A_279 = arith.cmpi eq, %iota3A, %eq3A_278 : vector<1153x128xi32>
    %and3A_280 = vector.broadcast %and3A_250 : i1 to vector<1153x128xi1>
    %and3A_281 = arith.andi %and3A_280, %eq3A_279 : vector<1153x128xi1>
    %slice3A_282 = vector.extract_strided_slice %get3A_22 {offsets = [0, 3], sizes = [1153, 1], strides = [1, 1]} : vector<1153x8xf32> to vector<1153x1xf32>
    %broadcast_in_dim3A_283 = vector.shape_cast %slice3A_282 : vector<1153x1xf32> to vector<1153x1xf32>
    %broadcast_in_dim3A_284 = vector.broadcast %broadcast_in_dim3A_283 : vector<1153x1xf32> to vector<1153x128xf32>
    %select_n3A_285 = arith.select %and3A_281, %broadcast_in_dim3A_284, %select_n3A_218 : vector<1153x128xi1>, vector<1153x128xf32>
    %get3A_286 = arith.constant 4 : index
    %get3A_287 = memref.load %arg1[%get3A_286] : memref<16xi32, #tpu.memory_space<smem>>
    %get3A_288 = arith.constant 12 : index
    %get3A_289 = memref.load %arg1[%get3A_288] : memref<16xi32, #tpu.memory_space<smem>>
    %gt3A_290 = arith.constant 0 : i32
    %gt3A_291 = arith.cmpi sgt, %get3A_289, %gt3A_290 : i32
    %jit3A_292 = arith.constant 128 : i32
    %div3A_293 = arith.divsi %get3A_287, %jit3A_292 : i32
    %sign3A_294 = arith.constant 0 : i32
    %sign3A_295 = arith.cmpi sgt, %get3A_287, %sign3A_294 : i32
    %sign3A_296 = arith.extui %sign3A_295 : i1 to i32
    %sign3A_297 = arith.constant 0 : i32
    %sign3A_298 = arith.cmpi slt, %get3A_287, %sign3A_297 : i32
    %sign3A_299 = arith.extui %sign3A_298 : i1 to i32
    %sign3A_300 = arith.subi %sign3A_296, %sign3A_299 : i32
    %sign3A_301 = arith.constant 0 : i32
    %sign3A_302 = arith.cmpi sgt, %jit3A_292, %sign3A_301 : i32
    %sign3A_303 = arith.extui %sign3A_302 : i1 to i32
    %sign3A_304 = arith.constant 0 : i32
    %sign3A_305 = arith.cmpi slt, %jit3A_292, %sign3A_304 : i32
    %sign3A_306 = arith.extui %sign3A_305 : i1 to i32
    %sign3A_307 = arith.subi %sign3A_303, %sign3A_306 : i32
    %ne3A_308 = arith.cmpi ne, %sign3A_300, %sign3A_307 : i32
    %rem3A_309 = arith.remsi %get3A_287, %jit3A_292 : i32
    %ne3A_310 = arith.constant 0 : i32
    %ne3A_311 = arith.cmpi ne, %rem3A_309, %ne3A_310 : i32
    %and3A_312 = arith.andi %ne3A_308, %ne3A_311 : i1
    %sub3A_313 = arith.constant 1 : i32
    %sub3A_314 = arith.subi %div3A_293, %sub3A_313 : i32
    %select_n3A_315 = arith.select %and3A_312, %sub3A_314, %div3A_293 : i32
    %eq3A_316 = arith.cmpi eq, %select_n3A_315, %select_n3A : i32
    %and3A_317 = arith.andi %gt3A_291, %eq3A_316 : i1
    %jit3A_318 = arith.constant 128 : i32
    %div3A_319 = arith.divsi %get3A_287, %jit3A_318 : i32
    %sign3A_320 = arith.constant 0 : i32
    %sign3A_321 = arith.cmpi sgt, %get3A_287, %sign3A_320 : i32
    %sign3A_322 = arith.extui %sign3A_321 : i1 to i32
    %sign3A_323 = arith.constant 0 : i32
    %sign3A_324 = arith.cmpi slt, %get3A_287, %sign3A_323 : i32
    %sign3A_325 = arith.extui %sign3A_324 : i1 to i32
    %sign3A_326 = arith.subi %sign3A_322, %sign3A_325 : i32
    %sign3A_327 = arith.constant 0 : i32
    %sign3A_328 = arith.cmpi sgt, %jit3A_318, %sign3A_327 : i32
    %sign3A_329 = arith.extui %sign3A_328 : i1 to i32
    %sign3A_330 = arith.constant 0 : i32
    %sign3A_331 = arith.cmpi slt, %jit3A_318, %sign3A_330 : i32
    %sign3A_332 = arith.extui %sign3A_331 : i1 to i32
    %sign3A_333 = arith.subi %sign3A_329, %sign3A_332 : i32
    %ne3A_334 = arith.cmpi ne, %sign3A_326, %sign3A_333 : i32
    %rem3A_335 = arith.remsi %get3A_287, %jit3A_318 : i32
    %ne3A_336 = arith.constant 0 : i32
    %ne3A_337 = arith.cmpi ne, %rem3A_335, %ne3A_336 : i32
    %and3A_338 = arith.andi %ne3A_334, %ne3A_337 : i1
    %sub3A_339 = arith.constant 1 : i32
    %sub3A_340 = arith.subi %div3A_319, %sub3A_339 : i32
    %select_n3A_341 = arith.select %and3A_338, %sub3A_340, %div3A_319 : i32
    %mul3A_342 = arith.constant 128 : i32
    %mul3A_343 = arith.muli %select_n3A_341, %mul3A_342 : i32
    %sub3A_344 = arith.subi %get3A_287, %mul3A_343 : i32
    %eq3A_345 = vector.broadcast %sub3A_344 : i32 to vector<1153x128xi32>
    %eq3A_346 = arith.cmpi eq, %iota3A, %eq3A_345 : vector<1153x128xi32>
    %and3A_347 = vector.broadcast %and3A_317 : i1 to vector<1153x128xi1>
    %and3A_348 = arith.andi %and3A_347, %eq3A_346 : vector<1153x128xi1>
    %slice3A_349 = vector.extract_strided_slice %get3A_22 {offsets = [0, 4], sizes = [1153, 1], strides = [1, 1]} : vector<1153x8xf32> to vector<1153x1xf32>
    %broadcast_in_dim3A_350 = vector.shape_cast %slice3A_349 : vector<1153x1xf32> to vector<1153x1xf32>
    %broadcast_in_dim3A_351 = vector.broadcast %broadcast_in_dim3A_350 : vector<1153x1xf32> to vector<1153x128xf32>
    %select_n3A_352 = arith.select %and3A_348, %broadcast_in_dim3A_351, %select_n3A_285 : vector<1153x128xi1>, vector<1153x128xf32>
    %get3A_353 = arith.constant 5 : index
    %get3A_354 = memref.load %arg1[%get3A_353] : memref<16xi32, #tpu.memory_space<smem>>
    %get3A_355 = arith.constant 13 : index
    %get3A_356 = memref.load %arg1[%get3A_355] : memref<16xi32, #tpu.memory_space<smem>>
    %gt3A_357 = arith.constant 0 : i32
    %gt3A_358 = arith.cmpi sgt, %get3A_356, %gt3A_357 : i32
    %jit3A_359 = arith.constant 128 : i32
    %div3A_360 = arith.divsi %get3A_354, %jit3A_359 : i32
    %sign3A_361 = arith.constant 0 : i32
    %sign3A_362 = arith.cmpi sgt, %get3A_354, %sign3A_361 : i32
    %sign3A_363 = arith.extui %sign3A_362 : i1 to i32
    %sign3A_364 = arith.constant 0 : i32
    %sign3A_365 = arith.cmpi slt, %get3A_354, %sign3A_364 : i32
    %sign3A_366 = arith.extui %sign3A_365 : i1 to i32
    %sign3A_367 = arith.subi %sign3A_363, %sign3A_366 : i32
    %sign3A_368 = arith.constant 0 : i32
    %sign3A_369 = arith.cmpi sgt, %jit3A_359, %sign3A_368 : i32
    %sign3A_370 = arith.extui %sign3A_369 : i1 to i32
    %sign3A_371 = arith.constant 0 : i32
    %sign3A_372 = arith.cmpi slt, %jit3A_359, %sign3A_371 : i32
    %sign3A_373 = arith.extui %sign3A_372 : i1 to i32
    %sign3A_374 = arith.subi %sign3A_370, %sign3A_373 : i32
    %ne3A_375 = arith.cmpi ne, %sign3A_367, %sign3A_374 : i32
    %rem3A_376 = arith.remsi %get3A_354, %jit3A_359 : i32
    %ne3A_377 = arith.constant 0 : i32
    %ne3A_378 = arith.cmpi ne, %rem3A_376, %ne3A_377 : i32
    %and3A_379 = arith.andi %ne3A_375, %ne3A_378 : i1
    %sub3A_380 = arith.constant 1 : i32
    %sub3A_381 = arith.subi %div3A_360, %sub3A_380 : i32
    %select_n3A_382 = arith.select %and3A_379, %sub3A_381, %div3A_360 : i32
    %eq3A_383 = arith.cmpi eq, %select_n3A_382, %select_n3A : i32
    %and3A_384 = arith.andi %gt3A_358, %eq3A_383 : i1
    %jit3A_385 = arith.constant 128 : i32
    %div3A_386 = arith.divsi %get3A_354, %jit3A_385 : i32
    %sign3A_387 = arith.constant 0 : i32
    %sign3A_388 = arith.cmpi sgt, %get3A_354, %sign3A_387 : i32
    %sign3A_389 = arith.extui %sign3A_388 : i1 to i32
    %sign3A_390 = arith.constant 0 : i32
    %sign3A_391 = arith.cmpi slt, %get3A_354, %sign3A_390 : i32
    %sign3A_392 = arith.extui %sign3A_391 : i1 to i32
    %sign3A_393 = arith.subi %sign3A_389, %sign3A_392 : i32
    %sign3A_394 = arith.constant 0 : i32
    %sign3A_395 = arith.cmpi sgt, %jit3A_385, %sign3A_394 : i32
    %sign3A_396 = arith.extui %sign3A_395 : i1 to i32
    %sign3A_397 = arith.constant 0 : i32
    %sign3A_398 = arith.cmpi slt, %jit3A_385, %sign3A_397 : i32
    %sign3A_399 = arith.extui %sign3A_398 : i1 to i32
    %sign3A_400 = arith.subi %sign3A_396, %sign3A_399 : i32
    %ne3A_401 = arith.cmpi ne, %sign3A_393, %sign3A_400 : i32
    %rem3A_402 = arith.remsi %get3A_354, %jit3A_385 : i32
    %ne3A_403 = arith.constant 0 : i32
    %ne3A_404 = arith.cmpi ne, %rem3A_402, %ne3A_403 : i32
    %and3A_405 = arith.andi %ne3A_401, %ne3A_404 : i1
    %sub3A_406 = arith.constant 1 : i32
    %sub3A_407 = arith.subi %div3A_386, %sub3A_406 : i32
    %select_n3A_408 = arith.select %and3A_405, %sub3A_407, %div3A_386 : i32
    %mul3A_409 = arith.constant 128 : i32
    %mul3A_410 = arith.muli %select_n3A_408, %mul3A_409 : i32
    %sub3A_411 = arith.subi %get3A_354, %mul3A_410 : i32
    %eq3A_412 = vector.broadcast %sub3A_411 : i32 to vector<1153x128xi32>
    %eq3A_413 = arith.cmpi eq, %iota3A, %eq3A_412 : vector<1153x128xi32>
    %and3A_414 = vector.broadcast %and3A_384 : i1 to vector<1153x128xi1>
    %and3A_415 = arith.andi %and3A_414, %eq3A_413 : vector<1153x128xi1>
    %slice3A_416 = vector.extract_strided_slice %get3A_22 {offsets = [0, 5], sizes = [1153, 1], strides = [1, 1]} : vector<1153x8xf32> to vector<1153x1xf32>
    %broadcast_in_dim3A_417 = vector.shape_cast %slice3A_416 : vector<1153x1xf32> to vector<1153x1xf32>
    %broadcast_in_dim3A_418 = vector.broadcast %broadcast_in_dim3A_417 : vector<1153x1xf32> to vector<1153x128xf32>
    %select_n3A_419 = arith.select %and3A_415, %broadcast_in_dim3A_418, %select_n3A_352 : vector<1153x128xi1>, vector<1153x128xf32>
    %get3A_420 = arith.constant 6 : index
    %get3A_421 = memref.load %arg1[%get3A_420] : memref<16xi32, #tpu.memory_space<smem>>
    %get3A_422 = arith.constant 14 : index
    %get3A_423 = memref.load %arg1[%get3A_422] : memref<16xi32, #tpu.memory_space<smem>>
    %gt3A_424 = arith.constant 0 : i32
    %gt3A_425 = arith.cmpi sgt, %get3A_423, %gt3A_424 : i32
    %jit3A_426 = arith.constant 128 : i32
    %div3A_427 = arith.divsi %get3A_421, %jit3A_426 : i32
    %sign3A_428 = arith.constant 0 : i32
    %sign3A_429 = arith.cmpi sgt, %get3A_421, %sign3A_428 : i32
    %sign3A_430 = arith.extui %sign3A_429 : i1 to i32
    %sign3A_431 = arith.constant 0 : i32
    %sign3A_432 = arith.cmpi slt, %get3A_421, %sign3A_431 : i32
    %sign3A_433 = arith.extui %sign3A_432 : i1 to i32
    %sign3A_434 = arith.subi %sign3A_430, %sign3A_433 : i32
    %sign3A_435 = arith.constant 0 : i32
    %sign3A_436 = arith.cmpi sgt, %jit3A_426, %sign3A_435 : i32
    %sign3A_437 = arith.extui %sign3A_436 : i1 to i32
    %sign3A_438 = arith.constant 0 : i32
    %sign3A_439 = arith.cmpi slt, %jit3A_426, %sign3A_438 : i32
    %sign3A_440 = arith.extui %sign3A_439 : i1 to i32
    %sign3A_441 = arith.subi %sign3A_437, %sign3A_440 : i32
    %ne3A_442 = arith.cmpi ne, %sign3A_434, %sign3A_441 : i32
    %rem3A_443 = arith.remsi %get3A_421, %jit3A_426 : i32
    %ne3A_444 = arith.constant 0 : i32
    %ne3A_445 = arith.cmpi ne, %rem3A_443, %ne3A_444 : i32
    %and3A_446 = arith.andi %ne3A_442, %ne3A_445 : i1
    %sub3A_447 = arith.constant 1 : i32
    %sub3A_448 = arith.subi %div3A_427, %sub3A_447 : i32
    %select_n3A_449 = arith.select %and3A_446, %sub3A_448, %div3A_427 : i32
    %eq3A_450 = arith.cmpi eq, %select_n3A_449, %select_n3A : i32
    %and3A_451 = arith.andi %gt3A_425, %eq3A_450 : i1
    %jit3A_452 = arith.constant 128 : i32
    %div3A_453 = arith.divsi %get3A_421, %jit3A_452 : i32
    %sign3A_454 = arith.constant 0 : i32
    %sign3A_455 = arith.cmpi sgt, %get3A_421, %sign3A_454 : i32
    %sign3A_456 = arith.extui %sign3A_455 : i1 to i32
    %sign3A_457 = arith.constant 0 : i32
    %sign3A_458 = arith.cmpi slt, %get3A_421, %sign3A_457 : i32
    %sign3A_459 = arith.extui %sign3A_458 : i1 to i32
    %sign3A_460 = arith.subi %sign3A_456, %sign3A_459 : i32
    %sign3A_461 = arith.constant 0 : i32
    %sign3A_462 = arith.cmpi sgt, %jit3A_452, %sign3A_461 : i32
    %sign3A_463 = arith.extui %sign3A_462 : i1 to i32
    %sign3A_464 = arith.constant 0 : i32
    %sign3A_465 = arith.cmpi slt, %jit3A_452, %sign3A_464 : i32
    %sign3A_466 = arith.extui %sign3A_465 : i1 to i32
    %sign3A_467 = arith.subi %sign3A_463, %sign3A_466 : i32
    %ne3A_468 = arith.cmpi ne, %sign3A_460, %sign3A_467 : i32
    %rem3A_469 = arith.remsi %get3A_421, %jit3A_452 : i32
    %ne3A_470 = arith.constant 0 : i32
    %ne3A_471 = arith.cmpi ne, %rem3A_469, %ne3A_470 : i32
    %and3A_472 = arith.andi %ne3A_468, %ne3A_471 : i1
    %sub3A_473 = arith.constant 1 : i32
    %sub3A_474 = arith.subi %div3A_453, %sub3A_473 : i32
    %select_n3A_475 = arith.select %and3A_472, %sub3A_474, %div3A_453 : i32
    %mul3A_476 = arith.constant 128 : i32
    %mul3A_477 = arith.muli %select_n3A_475, %mul3A_476 : i32
    %sub3A_478 = arith.subi %get3A_421, %mul3A_477 : i32
    %eq3A_479 = vector.broadcast %sub3A_478 : i32 to vector<1153x128xi32>
    %eq3A_480 = arith.cmpi eq, %iota3A, %eq3A_479 : vector<1153x128xi32>
    %and3A_481 = vector.broadcast %and3A_451 : i1 to vector<1153x128xi1>
    %and3A_482 = arith.andi %and3A_481, %eq3A_480 : vector<1153x128xi1>
    %slice3A_483 = vector.extract_strided_slice %get3A_22 {offsets = [0, 6], sizes = [1153, 1], strides = [1, 1]} : vector<1153x8xf32> to vector<1153x1xf32>
    %broadcast_in_dim3A_484 = vector.shape_cast %slice3A_483 : vector<1153x1xf32> to vector<1153x1xf32>
    %broadcast_in_dim3A_485 = vector.broadcast %broadcast_in_dim3A_484 : vector<1153x1xf32> to vector<1153x128xf32>
    %select_n3A_486 = arith.select %and3A_482, %broadcast_in_dim3A_485, %select_n3A_419 : vector<1153x128xi1>, vector<1153x128xf32>
    %get3A_487 = arith.constant 7 : index
    %get3A_488 = memref.load %arg1[%get3A_487] : memref<16xi32, #tpu.memory_space<smem>>
    %get3A_489 = arith.constant 15 : index
    %get3A_490 = memref.load %arg1[%get3A_489] : memref<16xi32, #tpu.memory_space<smem>>
    %gt3A_491 = arith.constant 0 : i32
    %gt3A_492 = arith.cmpi sgt, %get3A_490, %gt3A_491 : i32
    %jit3A_493 = arith.constant 128 : i32
    %div3A_494 = arith.divsi %get3A_488, %jit3A_493 : i32
    %sign3A_495 = arith.constant 0 : i32
    %sign3A_496 = arith.cmpi sgt, %get3A_488, %sign3A_495 : i32
    %sign3A_497 = arith.extui %sign3A_496 : i1 to i32
    %sign3A_498 = arith.constant 0 : i32
    %sign3A_499 = arith.cmpi slt, %get3A_488, %sign3A_498 : i32
    %sign3A_500 = arith.extui %sign3A_499 : i1 to i32
    %sign3A_501 = arith.subi %sign3A_497, %sign3A_500 : i32
    %sign3A_502 = arith.constant 0 : i32
    %sign3A_503 = arith.cmpi sgt, %jit3A_493, %sign3A_502 : i32
    %sign3A_504 = arith.extui %sign3A_503 : i1 to i32
    %sign3A_505 = arith.constant 0 : i32
    %sign3A_506 = arith.cmpi slt, %jit3A_493, %sign3A_505 : i32
    %sign3A_507 = arith.extui %sign3A_506 : i1 to i32
    %sign3A_508 = arith.subi %sign3A_504, %sign3A_507 : i32
    %ne3A_509 = arith.cmpi ne, %sign3A_501, %sign3A_508 : i32
    %rem3A_510 = arith.remsi %get3A_488, %jit3A_493 : i32
    %ne3A_511 = arith.constant 0 : i32
    %ne3A_512 = arith.cmpi ne, %rem3A_510, %ne3A_511 : i32
    %and3A_513 = arith.andi %ne3A_509, %ne3A_512 : i1
    %sub3A_514 = arith.constant 1 : i32
    %sub3A_515 = arith.subi %div3A_494, %sub3A_514 : i32
    %select_n3A_516 = arith.select %and3A_513, %sub3A_515, %div3A_494 : i32
    %eq3A_517 = arith.cmpi eq, %select_n3A_516, %select_n3A : i32
    %and3A_518 = arith.andi %gt3A_492, %eq3A_517 : i1
    %jit3A_519 = arith.constant 128 : i32
    %div3A_520 = arith.divsi %get3A_488, %jit3A_519 : i32
    %sign3A_521 = arith.constant 0 : i32
    %sign3A_522 = arith.cmpi sgt, %get3A_488, %sign3A_521 : i32
    %sign3A_523 = arith.extui %sign3A_522 : i1 to i32
    %sign3A_524 = arith.constant 0 : i32
    %sign3A_525 = arith.cmpi slt, %get3A_488, %sign3A_524 : i32
    %sign3A_526 = arith.extui %sign3A_525 : i1 to i32
    %sign3A_527 = arith.subi %sign3A_523, %sign3A_526 : i32
    %sign3A_528 = arith.constant 0 : i32
    %sign3A_529 = arith.cmpi sgt, %jit3A_519, %sign3A_528 : i32
    %sign3A_530 = arith.extui %sign3A_529 : i1 to i32
    %sign3A_531 = arith.constant 0 : i32
    %sign3A_532 = arith.cmpi slt, %jit3A_519, %sign3A_531 : i32
    %sign3A_533 = arith.extui %sign3A_532 : i1 to i32
    %sign3A_534 = arith.subi %sign3A_530, %sign3A_533 : i32
    %ne3A_535 = arith.cmpi ne, %sign3A_527, %sign3A_534 : i32
    %rem3A_536 = arith.remsi %get3A_488, %jit3A_519 : i32
    %ne3A_537 = arith.constant 0 : i32
    %ne3A_538 = arith.cmpi ne, %rem3A_536, %ne3A_537 : i32
    %and3A_539 = arith.andi %ne3A_535, %ne3A_538 : i1
    %sub3A_540 = arith.constant 1 : i32
    %sub3A_541 = arith.subi %div3A_520, %sub3A_540 : i32
    %select_n3A_542 = arith.select %and3A_539, %sub3A_541, %div3A_520 : i32
    %mul3A_543 = arith.constant 128 : i32
    %mul3A_544 = arith.muli %select_n3A_542, %mul3A_543 : i32
    %sub3A_545 = arith.subi %get3A_488, %mul3A_544 : i32
    %eq3A_546 = vector.broadcast %sub3A_545 : i32 to vector<1153x128xi32>
    %eq3A_547 = arith.cmpi eq, %iota3A, %eq3A_546 : vector<1153x128xi32>
    %and3A_548 = vector.broadcast %and3A_518 : i1 to vector<1153x128xi1>
    %and3A_549 = arith.andi %and3A_548, %eq3A_547 : vector<1153x128xi1>
    %slice3A_550 = vector.extract_strided_slice %get3A_22 {offsets = [0, 7], sizes = [1153, 1], strides = [1, 1]} : vector<1153x8xf32> to vector<1153x1xf32>
    %broadcast_in_dim3A_551 = vector.shape_cast %slice3A_550 : vector<1153x1xf32> to vector<1153x1xf32>
    %broadcast_in_dim3A_552 = vector.broadcast %broadcast_in_dim3A_551 : vector<1153x1xf32> to vector<1153x128xf32>
    %select_n3A_553 = arith.select %and3A_549, %broadcast_in_dim3A_552, %select_n3A_486 : vector<1153x128xi1>, vector<1153x128xf32>
    %swap3A = arith.constant 0 : index
    %swap3A_554 = arith.constant 0 : index
    %swap3A_555 = vector.load %arg4[%swap3A, %swap3A_554] : memref<1153x128xf32, #tpu.memory_space<vmem>>, vector<1153x128xf32>
    tpu.vector_store %arg4[%swap3A, %swap3A_554], %select_n3A_553 {strides = array<i32>} : memref<1153x128xf32, #tpu.memory_space<vmem>>, vector<1153x128xf32>,
    return
  }
  func.func @transform_0(%arg0: i32, %arg1: memref<16xi32, #tpu.memory_space<smem>>) -> (i32, i32) {
    %c0_i32 = arith.constant 0 : i32
    %c0_i32_0 = arith.constant 0 : i32
    %c0_i32_1 = arith.constant 0 : i32
    return %c0_i32, %c0_i32_0 : i32, i32
  }
  func.func @transform_1(%arg0: i32, %arg1: memref<16xi32, #tpu.memory_space<smem>>) -> (i32, i32) {
    %get3A = arith.index_cast %arg0 : i32 to index
    %get3A_0 = memref.load %arg1[%get3A] : memref<16xi32, #tpu.memory_space<smem>>
    %jit3A = arith.constant 128 : i32
    %div3A = arith.divsi %get3A_0, %jit3A : i32
    %sign3A = arith.constant 0 : i32
    %sign3A_1 = arith.cmpi sgt, %get3A_0, %sign3A : i32
    %sign3A_2 = arith.extui %sign3A_1 : i1 to i32
    %sign3A_3 = arith.constant 0 : i32
    %sign3A_4 = arith.cmpi slt, %get3A_0, %sign3A_3 : i32
    %sign3A_5 = arith.extui %sign3A_4 : i1 to i32
    %sign3A_6 = arith.subi %sign3A_2, %sign3A_5 : i32
    %sign3A_7 = arith.constant 0 : i32
    %sign3A_8 = arith.cmpi sgt, %jit3A, %sign3A_7 : i32
    %sign3A_9 = arith.extui %sign3A_8 : i1 to i32
    %sign3A_10 = arith.constant 0 : i32
    %sign3A_11 = arith.cmpi slt, %jit3A, %sign3A_10 : i32
    %sign3A_12 = arith.extui %sign3A_11 : i1 to i32
    %sign3A_13 = arith.subi %sign3A_9, %sign3A_12 : i32
    %ne3A = arith.cmpi ne, %sign3A_6, %sign3A_13 : i32
    %rem3A = arith.remsi %get3A_0, %jit3A : i32
    %ne3A_14 = arith.constant 0 : i32
    %ne3A_15 = arith.cmpi ne, %rem3A, %ne3A_14 : i32
    %and3A = arith.andi %ne3A, %ne3A_15 : i1
    %sub3A = arith.constant 1 : i32
    %sub3A_16 = arith.subi %div3A, %sub3A : i32
    %select_n3A = arith.select %and3A, %sub3A_16, %div3A : i32
    %c0_i32 = arith.constant 0 : i32
    %c0_i32_17 = arith.constant 0 : i32
    return %c0_i32, %select_n3A : i32, i32
  }
  func.func @transform_2(%arg0: i32, %arg1: memref<16xi32, #tpu.memory_space<smem>>) -> (i32, i32) {
    %get3A = arith.index_cast %arg0 : i32 to index
    %get3A_0 = memref.load %arg1[%get3A] : memref<16xi32, #tpu.memory_space<smem>>
    %jit3A = arith.constant 128 : i32
    %div3A = arith.divsi %get3A_0, %jit3A : i32
    %sign3A = arith.constant 0 : i32
    %sign3A_1 = arith.cmpi sgt, %get3A_0, %sign3A : i32
    %sign3A_2 = arith.extui %sign3A_1 : i1 to i32
    %sign3A_3 = arith.constant 0 : i32
    %sign3A_4 = arith.cmpi slt, %get3A_0, %sign3A_3 : i32
    %sign3A_5 = arith.extui %sign3A_4 : i1 to i32
    %sign3A_6 = arith.subi %sign3A_2, %sign3A_5 : i32
    %sign3A_7 = arith.constant 0 : i32
    %sign3A_8 = arith.cmpi sgt, %jit3A, %sign3A_7 : i32
    %sign3A_9 = arith.extui %sign3A_8 : i1 to i32
    %sign3A_10 = arith.constant 0 : i32
    %sign3A_11 = arith.cmpi slt, %jit3A, %sign3A_10 : i32
    %sign3A_12 = arith.extui %sign3A_11 : i1 to i32
    %sign3A_13 = arith.subi %sign3A_9, %sign3A_12 : i32
    %ne3A = arith.cmpi ne, %sign3A_6, %sign3A_13 : i32
    %rem3A = arith.remsi %get3A_0, %jit3A : i32
    %ne3A_14 = arith.constant 0 : i32
    %ne3A_15 = arith.cmpi ne, %rem3A, %ne3A_14 : i32
    %and3A = arith.andi %ne3A, %ne3A_15 : i1
    %sub3A = arith.constant 1 : i32
    %sub3A_16 = arith.subi %div3A, %sub3A : i32
    %select_n3A = arith.select %and3A, %sub3A_16, %div3A : i32
    %c0_i32 = arith.constant 0 : i32
    %c0_i32_17 = arith.constant 0 : i32
    return %c0_i32, %select_n3A : i32, i32
  }
}

</mosaic_0001>

<sc_bundles>
// kernel: kernel.6.cloned.1.call-start
scs
__scs_entry_jumppad:
0x0: {  	(pc) =	sbr.rel $0x88, $3  }
0x1: {  	(tag) =	ssettag $0x0;
	lr =	simm.s32 $0x1  }
0x2: {  	[smem:$0x3F98] =	sst lr;
	_ =	strace $0xD0000000  }
0x3: {  	_ = 	snop  }
0x4: {  	_ = 	snop  }
0x5: {  	_ = 	snop  }
0x6: {  	_ = 	snop  }
0x7: {  	_ = 	snop  }
__scs_overlays_trampoline_lowered:
0x8: {  	[smem:$0x3FA7] =	sst s0  }
0x9: {  	[smem:$0x3FA8] =	sst s1  }
0xa: {  	[smem:$0x3FA9] =	sst s2  }
0xb: {  	[smem:$0x3FAA] =	sst s3  }
0xc: {  	[smem:$0x3FAB] =	sst s4  }
0xd: {  	[smem:$0x3FAC] =	sst s5  }
0xe: {  	[smem:$0x3FAD] =	sst s6  }
0xf: {  	[smem:$0x3FAE] =	sst s7  }
0x10: {  	[smem:$0x3FAF] =	sst s8  }
0x11: {  	[smem:$0x3FB0] =	sst s9;
	s0 =	simm.s32 @!p0 $0x0  }
0x12: {  	s1 =	sld [smem:$0x3F96];
	s0 =	simm.s32 @p0 $0x1  }
0x13: {  	[smem:$0x3FB1] =	sst s0;
	s0 =	simm.s32 @!p1 $0x0  }
0x14: {  	s2 =	sld [smem:$0x3F95];
	s0 =	simm.s32 @p1 $0x1  }
0x15: {  	[smem:$0x3FB2] =	sst s0;
	s0 =	simm.s32 @!p2 $0x0  }
0x16: {  	s3 =	sld [smem:$0x3FDB];
	s0 =	simm.s32 @p2 $0x1  }
0x17: {  	s4 =	simm.s32 $0x1BF5;
	[smem:$0x3FB4] =	sst s0  }
0x18: {  	s0 =	sld [smem:$0x3F97];
	_ =	swait.ge [sflag:s4], $0x0  }
0x19: {  	s7 =	sld [smem:$0x3F98]  }
0x1a: {  	s8 =	sadd.s32 $0xFFFFE003, lr  }
0x1b: {  	s9 =	sadd.s32 $0xFFFFFEF7, lr;
	s5 =	simm.s32 $0xFFFFFFFF;
	p2 =	slt.u32 s8, $0xFFFFF086  }
0x1c: {  	p1 =	slt.u32 s9, $0xF7A;
	s5 =	simm.s32 @!p2 $0x0  }
0x1d: {  	s5 =	simm.s32 @p1 $0x1;
	p0 =	seq.s32 s7, s2  }
0x1e: {  	s7 =	smul.u32 @!p0 $0xF7A, s2;
	p2 =	seq.s32 @!p0 s5, $0x0  }
0x1f: {  	s9 =	smul.u32 $0xF7A, s1;
	s8 =	simm.s32 @!p0 $0x1BF5;
	p2 =	por !p2, p0  }
0x20: {  	[sflag:s8] =	ssyncset.s32 @!p0 $0xFFFFF086;
	s6 =	sadd.s32 @!p0 s3, s7;
	s7 =	simm.s32 @!p0 $0x108  }
0x21: {  	s3 =	sadd.s32 s3, s9;
	s6 =	sadd.s32 @!p0 $0x88, s6;
	s7 =	simm.s32 @p2 $0x1082  }
0x22: {  	[simem:s7], [sflag:s8] =	dma.local @!p0 [hbm:s6], $0xF7A  }
0x23: {  	s9 =	sor.u32 $0xD0000000, s2;
	s6 =	simm.s32 $0x108;
	_ =	swait.ge @!p0 [sflag:s8], $0x0  }
0x24: {  	s3 =	sadd.s32 $0x88, s3;
	s6 =	simm.s32 @!p1 $0x1082;
	[sflag:s4] =	ssyncset.s32 $0xFFFFF086  }
0x25: {  	[simem:s6], [sflag:s4] =	dma.local [hbm:s3], $0xF7A  }
0x26: {  	[smem:$0x3F98] =	sst s1;
	(tag) =	ssettag s2;
	_ =	strace s9  }
0x27: {  	s1 =	sld [smem:$0x3FA8]  }
0x28: {  	s2 =	sld [smem:$0x3FA9]  }
0x29: {  	s4 =	sld [smem:$0x3FAB]  }
0x2a: {  	p0 =	seq.s32 s5, $0x0;
	s5 =	sld [smem:$0x3FAC]  }
0x2b: {  	s6 =	sld [smem:$0x3FAD]  }
0x2c: {  	s7 =	sld [smem:$0x3FAE]  }
0x2d: {  	s3 =	simm.s32 $0x108;
	s8 =	sld [smem:$0x3FAF]  }
0x2e: {  	s3 =	simm.s32 @!p0 $0x1082;
	s9 =	sld [smem:$0x3FB0]  }
0x2f: {  	lr =	sadd.s32 s0, s3;
	s0 =	sld [smem:$0x3FA7]  }
0x30: {  	s3 =	sld [smem:$0x3FAA]  }
0x31: {  	[smem:$0x3FB3] =	sst s10  }
0x32: {  	s10 =	sld [smem:$0x3FB1];
	_ =	sdelay $0x3  }
0x33: {  	p0 =	seq.s32 s10, $0x1;
	s10 =	sld [smem:$0x3FB3];
	_ =	sdelay $0x3  }
0x34: {  	[smem:$0x3FB3] =	sst s10  }
0x35: {  	s10 =	sld [smem:$0x3FB2];
	_ =	sdelay $0x3  }
0x36: {  	p1 =	seq.s32 s10, $0x1;
	s10 =	sld [smem:$0x3FB3];
	_ =	sdelay $0x3  }
0x37: {  	[smem:$0x3FB3] =	sst s10  }
0x38: {  	s10 =	sld [smem:$0x3FB4]  }
0x39: {  	_ = 	snop;
	(pc) =	sbr.ind lr, $3  }
0x3a: {  	_ = 	snop  }
0x3b: {  	_ = 	snop  }
0x3c: {  	p2 =	seq.s32 s10, $0x1;
	s10 =	sld [smem:$0x3FB3]  }
0x3d: {  	_ =	shalt  }
0x3e: {  	_ =	shalt  }
0x3f: {  	_ =	shalt  }
0x40: {  	_ =	shalt  }
0x41: {  	_ =	shalt  }
0x42: {  	_ =	shalt  }
0x43: {  	_ =	shalt  }
0x44: {  	_ =	shalt  }
0x45: {  	_ =	shalt  }
0x46: {  	_ =	shalt  }
0x47: {  	_ =	shalt  }
0x48: {  	_ =	shalt  }
0x49: {  	_ =	shalt  }
0x4a: {  	_ =	shalt  }
0x4b: {  	_ =	shalt  }
0x4c: {  	_ =	shalt  }
0x4d: {  	_ =	shalt  }
0x4e: {  	_ =	shalt  }
0x4f: {  	_ =	shalt  }
0x50: {  	_ =	shalt  }
0x51: {  	_ =	shalt  }
0x52: {  	_ =	shalt  }
0x53: {  	_ =	shalt  }
0x54: {  	_ =	shalt  }
0x55: {  	_ =	shalt  }
0x56: {  	_ =	shalt  }
0x57: {  	_ =	shalt  }
0x58: {  	_ =	shalt  }
0x59: {  	_ =	shalt  }
0x5a: {  	_ =	shalt  }
0x5b: {  	_ =	shalt  }
0x5c: {  	_ =	shalt  }
0x5d: {  	_ =	shalt  }
0x5e: {  	_ =	shalt  }
0x5f: {  	_ =	shalt  }
0x60: {  	_ =	shalt  }
0x61: {  	_ =	shalt  }
0x62: {  	_ =	shalt  }
0x63: {  	_ =	shalt  }
0x64: {  	_ =	shalt  }
0x65: {  	_ =	shalt  }
0x66: {  	_ =	shalt  }
0x67: {  	_ =	shalt  }
0x68: {  	_ =	shalt  }
0x69: {  	_ =	shalt  }
0x6a: {  	_ =	shalt  }
0x6b: {  	_ =	shalt  }
0x6c: {  	_ =	shalt  }
0x6d: {  	_ =	shalt  }
0x6e: {  	_ =	shalt  }
0x6f: {  	_ =	shalt  }
0x70: {  	_ =	shalt  }
0x71: {  	_ =	shalt  }
0x72: {  	_ =	shalt  }
0x73: {  	_ =	shalt  }
0x74: {  	_ =	shalt  }
0x75: {  	_ =	shalt  }
0x76: {  	_ =	shalt  }
0x77: {  	_ =	shalt  }
0x78: {  	_ =	shalt  }
0x79: {  	_ =	shalt  }
0x7a: {  	_ =	shalt  }
0x7b: {  	_ =	shalt  }
0x7c: {  	_ =	shalt  }
0x7d: {  	_ =	shalt  }
0x7e: {  	_ =	shalt  }
0x7f: {  	_ =	shalt  }
0x80: {  	_ =	shalt  }
0x81: {  	_ =	shalt  }
0x82: {  	_ =	shalt  }
0x83: {  	_ =	shalt  }
0x84: {  	_ =	shalt  }
0x85: {  	_ =	shalt  }
0x86: {  	_ =	shalt  }
0x87: {  	_ =	shalt  }
.Lfunc_end0:
.L_simem_size_0:
called_computation_lowered:
.L_overlay_start_0:
0x88: {  	s2 =	sld [smem:$0x3FD9]  }
0x89: {  	s3 =	sld [smem:$0x3FFE];
	_ =	sdelay $0x1  }
0x8a: {  	s1 =	srdreg.scid  }
0x8b: {  	s0 =	sand.u32 $0x1, s1  }
0x8c: {  	s18 =	sshll.u32 s0, $0xA;
	s2 =	sadd.s32 s3, s2  }
0x8d: {  	s2 =	sadd.s32 s2, s18  }
0x8e: {  	[smem:$0x3FBF] =	sst s2  }
0x8f: {  	_ = 	snop  }
0x90: {  	s2 =	sld [smem:$0x3FC6]  }
0x91: {  	s19 =	sld [smem:$0x3FD0];
	(tm) =	ssettm $0x1  }
0x92: {  	s4 =	sld [smem:$0x3FFB];
	_ =	sdelay $0x3  }
0x93: {  	_ =	strace s4  }
0x94: {  	s4 =	sld [smem:$0x3FFC];
	_ =	sdelay $0x3  }
0x95: {  	_ =	strace s4  }
0x96: {  	s4 =	sld [smem:$0x3FFD];
	_ =	sdelay $0x3  }
0x97: {  	_ =	strace s4  }
0x98: {  	_ =	strace $0x8FFFFFFF  }
0x99: {  	s20 =	sld [smem:$0x3FDB];
	_ =	sdelay $0x1  }
0x9a: {  	s5 =	simm.s32 $_scs_section_size  }
0x9b: {  	s6 =	simm.s32 $_size__tile_overlayer_lowered;
	s7 =	simm.s32 $_tile_overlayer_lowered  }
0x9c: {  	s23 =	simm.s32 $0x1BFF;
	s22 =	sshll.u32 s7, $0x1;
	s4 =	sadd.s32 s5, s20  }
0x9d: {  	s8 =	simm.s32 $0x0;
	s21 =	sshll.u32 s6, $0x1;
	s6 =	sadd.s32 s22, s4  }
0x9e: {  	[timem:s8], [sflag:s23] =	dma.local [hbm:s6], s21  }
0x9f: {  	_ =	swait.ge [sflag:s23], s21  }
0xa0: {  	s5 =	ssub.s32 $0x0, s21;
	[sflag:s23] =	ssyncset.done $0x0  }
0xa1: {  	[sflag:s23] =	ssyncadd.s32 s5;
	_ =	sdelay $0x1  }
0xa2: {  	s24 =	simm.s32 $0x1B8B  }
0xa3: {  	_ =	swait.ge [sflag:s24], $0x1  }
0xa4: {  	[sflag:s24] =	ssyncset.done $0x0  }
0xa5: {  	s25 =	simm.s32 $0x1B8E;
	[sflag:s24] =	ssyncadd.s32 $0xFFFFFFFF  }
0xa6: {  	s26 =	simm.s32 $execute0_lowered;
	[smem:$0x3FD2] =	sst s25  }
0xa7: {  	s5 =	sshll.u32 s26, $0x1;
	_ =	strace $0x80000046;
	[dreg:$0x1] =	wrdreg $0xFFFFFFFF  }
0xa8: {  	s28 =	simm.s32 $_size_execute0_lowered;
	s4 =	sadd.s32 s4, s5;
	[dreg:$0x0] =	wrdreg $0x0  }
0xa9: {  	s5 =	sshll.u32 s28, $0x1;
	[dreg:$0x2] =	wrdreg s4  }
0xaa: {  	[dreg:$0x3] =	wrdreg s5  }
0xab: {  	[dreg:$0x4] =	wrdreg $0xC0  }
0xac: {  	_ =	task [dreg:s8], $0x5FFFF  }
0xad: {  	[dreg:$0x1] =	wrdreg $0xFFFFFFFF  }
0xae: {  	[dreg:$0x0] =	wrdreg $0x60  }
0xaf: {  	[dreg:$0x2] =	wrdreg s2  }
0xb0: {  	[dreg:$0x3] =	wrdreg s19  }
0xb1: {  	[dreg:$0x4] =	wrdreg $0x9  }
0xb2: {  	_ =	task.clear_ibuf [dreg:s8], $0x5FFFF;
	_ =	strace $0x90000046  }
0xb3: {  	s29 =	simm.s32 $0x9;
	_ =	strace $0x80000048  }
0xb4: {  	_ =	swait.ge [sflag:s29], $0x1  }
0xb5: {  	[sflag:s29] =	ssyncadd.s32 $0xFFFFFFFF  }
0xb6: {  	_ =	strace $0x90000048  }
0xb7: {  	_ =	sfence  }
0xb8: {  	s30 =	sld [smem:$0x0];
	_ =	sdelay $0x2  }
0xb9: {  	s31 =	sshll.u32 s1, $0xD;
	s1 =	sshrl.u32 s1, $0x2  }
0xba: {  	s3 =	sand.u32 $0x4000, s31;
	s1 =	sadd.s32 s1, s30  }
0xbb: {  	s0 =	sor.u32 s3, s0;
	s1 =	sshll.u32 s1, $0x11  }
0xbc: {  	s0 =	sor.u32 s1, s0  }
0xbd: {  	s0 =	sadd.s32 $0x8F2B, s0  }
0xbe: {  	[sflag:s0] =	ssyncadd.remote.s32 $0x1  }
0xbf: {  	_ =	sfence.sel $0xFFFF  }
0xc0: {  	[dreg:$0x0] =	wrdreg $0xFFFFFFFF;
	(pc) =	sbr.abs _section_cstart, $3  }
0xc1: {  	[dreg:$0x1] =	wrdreg $0xFFFFFFFF  }
0xc2: {  	_ =	task.clear_ibuf [dreg:s8], $0x2FFFF;
	_ =	strace $0x9FFFFFFF  }
0xc3: {  	(tm) =	ssettm $0x7FFFFFFF  }
tec
execute0_lowered:
.L_overlay_start_1:
0x0: {  	(tag) =	ssettag $0x1  }
0x1: {  	s4 =	rddreg [dreg:$0x0];
	s1 =	srdreg.scid  }
0x2: {  	s0 =	stileid.u32;
	s7 =	rddreg [dreg:$0x1]  }
0x3: {  	s5 =	simm.s32 $0x0;
	s2 =	sand.u32 $0x1, s1;
	s1 =	rddreg [dreg:$0x2]  }
0x4: {  	s3 =	sshll.u32 s0, $0x1;
	[smem:$0x7FF] =	sst s5;
	p0 =	sgt.u32 s0, $0xD  }
0x5: {  	s6 =	sor.u32 s2, s3;
	s2 =	ssub.s32 $0x2, s2;
	_ =	strace $0x80000047  }
0x6: {  	s5 =	sshll.u32 @!p0 s0, $0x6;
	s3 =	smul.u32 $0xA000, s6;
	s31 =	sshrl.u32 s2, $0x1  }
0x7: {  	s5 =	sor.u32 @!p0 $0x1C01, s5;
	p1 =	sne.s32 s6, $0x1C;
	s8 =	ssub.s32 s2, s31  }
0x8: {  	s2 =	sadd.s32 s4, s3;
	s3 =	sadd.s32 s7, s3;
	s8 =	smax.u32 s8, $0x1  }
0x9: {  	[hbm:s3], [sflag:s5] =	dma.local @!p0 [hbm:s2], $0xA000  }
0xa: {  	s6 =	simm.s32 @!p0 $0x1;
	s9 =	sshll.u32 @!p1 s0, $0x6;
	s10 =	sadd.s32 $0xFFFFFFFF, s8  }
0xb: {  	s4 =	sadd.s32 $0x118000, s4;
	_ =	swait.ge @!p0 [sflag:s6], $0xA000;
	p2 =	sne.s32 s10, $0x0  }
.Ltmp0:
0xc: {  	s7 =	sadd.s32 $0x118000, s7;
	[sflag:s6] =	ssyncset.done @!p0 $0x0;
	(pc) =	sbr.rel @!p2 .LBB2_2-.Ltmp0, $4  }
0xd: {  	s9 =	sor.u32 @!p1 $0x1C01, s9;
	s8 =	simm.s32 @!p1 $0x1;
	[sflag:s6] =	ssyncadd.s32 @!p0 $0xFFFF6000  }
0xe: {  	[hbm:s7], [sflag:s9] =	dma.local @!p1 [hbm:s4], $0xA000  }
0xf: {  	_ =	swait.ge @!p1 [sflag:s8], $0xA000  }
0x10: {  	[sflag:s8] =	ssyncset.done @!p1 $0x0  }
.LBB2_1:
0x11: {  	s10 =	sadd.s32 $0xFFFFFFFF, s10;
	[sflag:s8] =	ssyncadd.s32 @!p1 $0xFFFF6000  }
0x12: {  	[hbm:s3], [sflag:s5] =	dma.local @!p0 [hbm:s2], $0xA000  }
0x13: {  	p2 =	sne.s32 s10, $0x0;
	_ =	swait.ge @!p0 [sflag:s6], $0xA000  }
.Ltmp1:
0x14: {  	[sflag:s6] =	ssyncset.done @!p0 $0x0;
	(pc) =	sbr.rel @p2 .LBB2_1-.Ltmp1, $4  }
0x15: {  	[sflag:s6] =	ssyncadd.s32 @!p0 $0xFFFF6000  }
0x16: {  	[hbm:s7], [sflag:s9] =	dma.local @!p1 [hbm:s4], $0xA000  }
0x17: {  	_ =	swait.ge @!p1 [sflag:s8], $0xA000  }
0x18: {  	[sflag:s8] =	ssyncset.done @!p1 $0x0  }
.LBB2_2:
0x19: {  	[sflag:s8] =	ssyncadd.s32 @!p1 $0xFFFF6000  }
0x1a: {  	_ =	sfence.sel $0x180000  }
0x1b: {  	[bflag:$0x0] =	sbarrier.arrive $0xFFFF  }
0x1c: {  	p0 =	sne.s32 s0, $0x0;
	_ =	strace $0x90000047  }
0x1d: {  	s0 =	sadd.s32 @!p0 $0x100000, s1;
	[bflag:$0x2] =	sbarrier.arrive $0xFFFF  }
0x1e: {  	[sflag:s0] =	ssyncadd.tile.s32 @!p0 $0x1;
	_ =	shalt  }
.Lfunc_end2:
_tile_overlayer_lowered:
.L_overlay_start_2:
0x1f: {  	(tag) =	ssettag $0x2  }
0x20: {  	s0 =	rddreg [dreg:$0x0];
	s2 =	stileid.u32  }
0x21: {  	s1 =	rddreg [dreg:$0x1];
	p0 =	sne.s32 s2, $0x0  }
0x22: {  	s3 =	rddreg [dreg:$0x2];
	[bflag:$0x3] =	sbarrier.arrive $0xFFFF;
	s2 =	simm.s32 @!p0 $0x1C01  }
0x23: {  	[timem:s3], [sflag:s2] =	dma.local @!p0 [hbm:s0], s1  }
0x24: {  	s0 =	simm.s32 @!p0 $0x1  }
0x25: {  	_ =	swait.ge @!p0 [sflag:s0], s1  }
0x26: {  	s1 =	ssub.s32 @!p0 $0x0, s1;
	[sflag:s0] =	ssyncset.done @!p0 $0x0  }
0x27: {  	[sflag:s0] =	ssyncadd.s32 @!p0 s1  }
0x28: {  	[bflag:$0x3] =	sbarrier.arrive $0xFFFF  }
0x29: {  	_ =	shalt  }

</sc_bundles>
